<compile_context>
chip_gen: v7x
topology: tpu7x:2x2x1
jax: 0.10.2.dev20260603
libtpu: 0.0.44.dev20260713+nightly
codegen_flags: <defaults>
</compile_context>

<pallas_src>
import functools

import jax
import jax.numpy as jnp
from jax import lax
from jax.experimental import pallas as pl
from jax.experimental.pallas import tpu as pltpu
from jax.experimental.pallas import tpu_sc as plsc

N = 10000
E = 320000
D = 128
NCORE = 2
NSUB = 16
NW = NCORE * NSUB
NP = 10240
SLICE = NP // NSUB
EPW = E // NW
CH = 80
NCHUNK = EPW // CH
NB = 25
SB = NCHUNK // NB
NBLK = 2000
GRID = N // NBLK


def _prep_body(x_ref, w_ref, asrc_ref, adst_ref, wh_ref, s_ref):
    wh = jnp.dot(x_ref[...], w_ref[...], preferred_element_type=jnp.float32)
    wh_ref[...] = wh
    av = asrc_ref[...] + adst_ref[...]
    s_ref[:N, :] = jnp.dot(wh, av, preferred_element_type=jnp.float32)
    s_ref[N:, :] = jnp.zeros((NP - N, 1), jnp.float32)


def _edge_kernel_body(wh_hbm, s_hbm, row_hbm, col_hbm,
                      acc_out, den_out,
                      s_loc, den_loc, ridx, cidx, wstore, rows,
                      wstore2, rows2, sem2, sem3,
                      acc_sh, sem):
    cid = lax.axis_index("c")
    sid = lax.axis_index("s")
    wid = sid * NCORE + cid

    zero16 = jnp.zeros((16,), jnp.float32)

    @pl.loop(0, N // 16)
    def _zden(i):
        den_loc[pl.ds(i * 16, 16)] = zero16

    pltpu.sync_copy(s_hbm, s_loc)

    @pl.loop(0, CH)
    def _zrows(e):
        for v in range(D // 16):
            rows[e, pl.ds(v * 16, 16)] = zero16

    @pl.loop(0, SLICE // CH)
    def _zacc(q):
        pltpu.sync_copy(rows, acc_sh.at[pl.ds(sid * SLICE + q * CH, CH)])

    plsc.subcore_barrier()

    def _wcompute(g, wst):
        for j in range(CH // 16):
            rv = ridx[g, pl.ds(j * 16, 16)]
            cv = cidx[g, pl.ds(j * 16, 16)]
            sr = plsc.load_gather(s_loc, [rv])
            sc = plsc.load_gather(s_loc, [cv])
            w = jnp.exp(sr + sc)
            wst[pl.ds(j * 16, 16)] = w
            plsc.addupdate_scatter(den_loc, [cv], w)

    def _wscale(rbuf, wst):
        @pl.loop(0, CH)
        def _scale(e):
            evec = jnp.full((16,), 0, jnp.int32) + e
            wspl = plsc.load_gather(wst, [evec])
            for v in range(D // 16):
                rbuf[e, pl.ds(v * 16, 16)] = (
                    rbuf[e, pl.ds(v * 16, 16)] * wspl)

    @pl.loop(0, SB)
    def _sblock(b):
        pltpu.sync_copy(row_hbm.at[wid, b], ridx)
        pltpu.sync_copy(col_hbm.at[wid, b], cidx)

        @pl.loop(0, NB // 2)
        def _chunk2(q):
            g0 = q * 2
            g1 = g0 + 1
            cp0 = pltpu.async_copy(wh_hbm.at[ridx.at[g0]], rows, sem)
            _wcompute(g0, wstore)
            cp1 = pltpu.async_copy(wh_hbm.at[ridx.at[g1]], rows2, sem2)
            _wcompute(g1, wstore2)
            cp0.wait()
            _wscale(rows, wstore)
            sc0 = pltpu.async_copy(rows, acc_sh.at[cidx.at[g0]], sem3,
                                   add=True)
            cp1.wait()
            _wscale(rows2, wstore2)
            pltpu.sync_copy(rows2, acc_sh.at[cidx.at[g1]], add=True)
            sc0.wait()

        gt = NB - 1
        cpt = pltpu.async_copy(wh_hbm.at[ridx.at[gt]], rows, sem)
        _wcompute(gt, wstore)
        cpt.wait()
        _wscale(rows, wstore)
        pltpu.sync_copy(rows, acc_sh.at[cidx.at[gt]], add=True)

    plsc.subcore_barrier()

    pltpu.sync_copy(acc_sh.at[pl.ds(sid * SLICE, SLICE)],
                    acc_out.at[cid, pl.ds(sid * SLICE, SLICE)])
    pltpu.sync_copy(den_loc, den_out.at[cid, sid])


_edge_kernel = functools.partial(
    pl.kernel,
    out_type=[jax.ShapeDtypeStruct((NCORE, NP, D), jnp.float32),
              jax.ShapeDtypeStruct((NCORE, NSUB, N), jnp.float32)],
    mesh=plsc.VectorSubcoreMesh(core_axis_name="c", subcore_axis_name="s"),
    compiler_params=pltpu.CompilerParams(needs_layout_passes=False),
    scratch_types=[
        pltpu.VMEM((N,), jnp.float32),
        pltpu.VMEM((N,), jnp.float32),
        pltpu.VMEM((NB, CH), jnp.int32),
        pltpu.VMEM((NB, CH), jnp.int32),
        pltpu.VMEM((CH,), jnp.float32),
        pltpu.VMEM((CH, D), jnp.float32),
        pltpu.VMEM((CH,), jnp.float32),
        pltpu.VMEM((CH, D), jnp.float32),
        pltpu.SemaphoreType.DMA,
        pltpu.SemaphoreType.DMA,
        pltpu.VMEM_SHARED((NP, D), jnp.float32),
        pltpu.SemaphoreType.DMA,
    ],
)(_edge_kernel_body)


def _finish_body(acc_ref, den_ref, out_ref):
    h = acc_ref[0] + acc_ref[1]
    d = jnp.sum(den_ref[...], axis=(0, 2)) + 1e-16
    h = h / d[:, None]
    out_ref[...] = jnp.where(h > 0.0, h, jnp.exp(jnp.minimum(h, 0.0)) - 1.0)


@jax.jit
def kernel(x, edge_index, W, a_src, a_dst):
    wh, s = pl.pallas_call(
        _prep_body,
        out_shape=[jax.ShapeDtypeStruct((N, D), jnp.float32),
                   jax.ShapeDtypeStruct((NP, 1), jnp.float32)],
    )(x, W, a_src, a_dst)

    row = edge_index[0].reshape(NW, SB, NB, CH)
    col = edge_index[1].reshape(NW, SB, NB, CH)

    acc, den = _edge_kernel(wh, s[:N, 0], row, col)
    den = den.transpose(0, 2, 1)

    out = pl.pallas_call(
        _finish_body,
        grid=(GRID,),
        in_specs=[
            pl.BlockSpec((NCORE, NBLK, D), lambda i: (0, i, 0)),
            pl.BlockSpec((NCORE, NBLK, NSUB), lambda i: (0, i, 0)),
        ],
        out_specs=pl.BlockSpec((NBLK, D), lambda i: (i, 0)),
        out_shape=jax.ShapeDtypeStruct((N, D), jnp.float32),
    )(acc, den)
    return out

# --- scband reference (transcript-rebuilt; emitter-appended) ---
"""Pipeline reference for scband-sparse-gatconv-65867618452065 (READ-ONLY COPY).

The authoritative reference and input builder live on the scoring server;
editing this copy changes nothing except your own understanding.
"""

import jax, jax.numpy as jnp
import numpy as np

N = 10000
E = 320000
D_IN = 128
D_OUT = 128


def setup_inputs(seed: int = 0) -> dict:
    key = jax.random.key(seed)
    k1, k2, k3, k4, k5 = jax.random.split(key, 5)
    x = jax.random.normal(k1, (N, D_IN), dtype=jnp.float32)
    edge_index = jax.random.randint(k2, (2, E), 0, N, dtype=jnp.int32)
    # xavier_uniform with gain=1.414
    lim_W = 1.414 * np.sqrt(6.0 / (D_IN + D_OUT))
    W = jax.random.uniform(k3, (D_IN, D_OUT), minval=-lim_W, maxval=lim_W, dtype=jnp.float32)
    lim_a = 1.414 * np.sqrt(6.0 / (D_OUT + 1))
    a_src = jax.random.uniform(k4, (D_OUT, 1), minval=-lim_a, maxval=lim_a, dtype=jnp.float32)
    a_dst = jax.random.uniform(k5, (D_OUT, 1), minval=-lim_a, maxval=lim_a, dtype=jnp.float32)
    return {"x": x, "edge_index": edge_index, "W": W, "a_src": a_src, "a_dst": a_dst}


def reference(x, edge_index, W, a_src, a_dst):
    # eval mode: dropout(p=0.5) is identity
    row = edge_index[0]
    col = edge_index[1]
    Wh = x @ W                         # [N, D_OUT]
    edge_1 = Wh @ a_src                # [N, 1]
    edge_2 = Wh @ a_dst                # [N, 1]
    e = edge_1 + edge_2                # [N, 1]
    e_final = e[row] + e[col]          # [E, 1]
    num_seg = x.shape[0]
    # segment softmax over destination index `col` (PyG-style)
    seg_max = jax.ops.segment_max(e_final, col, num_segments=num_seg)
    seg_max = jnp.where(jnp.isfinite(seg_max), seg_max, 0.0)
    e_exp = jnp.exp(e_final - seg_max[col])
    denom = jax.ops.segment_sum(e_exp, col, num_segments=num_seg)
    attention = e_exp / (denom[col] + 1e-16)   # [E, 1]
    h_prime = jax.ops.segment_sum(attention * Wh[row], col, num_segments=num_seg)
    # concat=True -> elu
    return jax.nn.elu(h_prime)

if __name__ == "__main__":
    import jax
    _d = setup_inputs()
    print(jax.jit(kernel)(*tuple(_d.values())))

</pallas_src>

<mosaic_0001>
#map = affine_map<(d0, d1) -> (0, 0)>
#map1 = affine_map<(d0, d1) -> (0)>
#map2 = affine_map<(d0, d1) -> (0, 0, 0, 0)>
#map3 = affine_map<(d0, d1) -> (0, 0, 0)>
module attributes {stable_mosaic.version = 14 : i64} {
  func.func @_edge_kernel_body(%arg0: i32, %arg1: i32, %arg2: memref<10000x128xf32, #tpu.memory_space<hbm>>, %arg3: memref<10000xf32, #tpu.memory_space<hbm>>, %arg4: memref<32x5x25x80xi32, #tpu.memory_space<hbm>>, %arg5: memref<32x5x25x80xi32, #tpu.memory_space<hbm>>, %arg6: memref<2x10240x128xf32, #tpu.memory_space<hbm>>, %arg7: memref<2x16x10000xf32, #tpu.memory_space<hbm>>, %arg8: memref<10000xf32, #tpu.memory_space<vmem>>, %arg9: memref<10000xf32, #tpu.memory_space<vmem>>, %arg10: memref<25x80xi32, #tpu.memory_space<vmem>>, %arg11: memref<25x80xi32, #tpu.memory_space<vmem>>, %arg12: memref<80xf32, #tpu.memory_space<vmem>>, %arg13: memref<80x128xf32, #tpu.memory_space<vmem>>, %arg14: memref<80xf32, #tpu.memory_space<vmem>>, %arg15: memref<80x128xf32, #tpu.memory_space<vmem>>, %arg16: memref<!tpu.dma_semaphore, #tpu.memory_space<semaphore_mem>>, %arg17: memref<!tpu.dma_semaphore, #tpu.memory_space<semaphore_mem>>, %arg18: memref<10240x128xf32, #tpu.memory_space<vmem_shared>>, %arg19: memref<!tpu.dma_semaphore, #tpu.memory_space<semaphore_mem>>) attributes {dimension_semantics = [#tpu.dimension_semantics<core_parallel>, #tpu.dimension_semantics<subcore_parallel>], iteration_bounds = array<i64: 2, 16>, scalar_prefetch = 0 : i64, scratch_operands = 12 : i64, tpu.core_type = #tpu.core_type<sc_vector_subcore>, window_params = [{transform_indices = #map}, {transform_indices = #map1}, {transform_indices = #map2}, {transform_indices = #map2}, {transform_indices = #map3}, {transform_indices = #map3}]} {
    %mul3A = arith.constant 2 : i32
    %mul3A_0 = arith.muli %arg1, %mul3A : i32
    %add3A = arith.addi %mul3A_0, %arg0 : i32
    %broadcast_in_dim3A = arith.constant 0.000000e+00 : f32
    %broadcast_in_dim3A_1 = vector.broadcast %broadcast_in_dim3A : f32 to vector<16xf32>
    %scan3A = arith.constant 0 : i32
    %scan3A_2 = arith.constant 625 : i32
    %scan3A_3 = arith.addi %scan3A, %scan3A_2 : i32
    %scan3A_4 = arith.constant 1 : i32
    scf.for %scan3A_26 = %scan3A to %scan3A_3 step %scan3A_4  : i32 {
      %mul3A_27 = arith.constant 1 : i32
      %mul3A_28 = arith.muli %scan3A_26, %mul3A_27 : i32
      %add3A_29 = arith.constant 0 : i32
      %add3A_30 = arith.addi %add3A_29, %mul3A_28 : i32
      %mul3A_31 = arith.constant 16 : i32
      %mul3A_32 = arith.muli %add3A_30, %mul3A_31 : i32
      %swap3A = arith.index_cast %mul3A_32 : i32 to index
      %swap3A_33 = tpu.vector_load %arg9[%swap3A] {strides = array<i32>} : memref<10000xf32, #tpu.memory_space<vmem>>, vector<16xf32>,
      tpu.vector_store %arg9[%swap3A], %broadcast_in_dim3A_1 {strides = array<i32>} : memref<10000xf32, #tpu.memory_space<vmem>>, vector<16xf32>,
    }
    %scan3A_5 = arith.constant 625 : i32
    "tpu.region"() ({
      %run_scoped3A = tpu.sem_alloc : memref<!tpu.dma_semaphore, #tpu.memory_space<semaphore_mem>>
      tpu.enqueue_dma source(%arg3 : memref<10000xf32, #tpu.memory_space<hbm>>) target(%arg8 : memref<10000xf32, #tpu.memory_space<vmem>>) target_semaphore(%run_scoped3A : memref<!tpu.dma_semaphore, #tpu.memory_space<semaphore_mem>>)
      tpu.wait_dma2 semaphore(%run_scoped3A : memref<!tpu.dma_semaphore, #tpu.memory_space<semaphore_mem>>) src(%arg3 : memref<10000xf32, #tpu.memory_space<hbm>>) dst(%arg8 : memref<10000xf32, #tpu.memory_space<vmem>>)
      tpu.yield
    }) : () -> ()
    %scan3A_6 = arith.constant 0 : i32
    %scan3A_7 = arith.constant 80 : i32
    %scan3A_8 = arith.addi %scan3A_6, %scan3A_7 : i32
    %scan3A_9 = arith.constant 1 : i32
    scf.for %scan3A_26 = %scan3A_6 to %scan3A_8 step %scan3A_9  : i32 {
      %mul3A_27 = arith.constant 1 : i32
      %mul3A_28 = arith.muli %scan3A_26, %mul3A_27 : i32
      %add3A_29 = arith.constant 0 : i32
      %add3A_30 = arith.addi %add3A_29, %mul3A_28 : i32
      %swap3A = arith.index_cast %add3A_30 : i32 to index
      %swap3A_31 = arith.constant 0 : index
      %swap3A_32 = tpu.vector_load %arg13[%swap3A, %swap3A_31] {strides = array<i32>} : memref<80x128xf32, #tpu.memory_space<vmem>>, vector<16xf32>,
      tpu.vector_store %arg13[%swap3A, %swap3A_31], %broadcast_in_dim3A_1 {strides = array<i32>} : memref<80x128xf32, #tpu.memory_space<vmem>>, vector<16xf32>,
      %swap3A_33 = arith.index_cast %add3A_30 : i32 to index
      %swap3A_34 = arith.constant 16 : index
      %swap3A_35 = tpu.vector_load %arg13[%swap3A_33, %swap3A_34] {strides = array<i32>} : memref<80x128xf32, #tpu.memory_space<vmem>>, vector<16xf32>,
      tpu.vector_store %arg13[%swap3A_33, %swap3A_34], %broadcast_in_dim3A_1 {strides = array<i32>} : memref<80x128xf32, #tpu.memory_space<vmem>>, vector<16xf32>,
      %swap3A_36 = arith.index_cast %add3A_30 : i32 to index
      %swap3A_37 = arith.constant 32 : index
      %swap3A_38 = tpu.vector_load %arg13[%swap3A_36, %swap3A_37] {strides = array<i32>} : memref<80x128xf32, #tpu.memory_space<vmem>>, vector<16xf32>,
      tpu.vector_store %arg13[%swap3A_36, %swap3A_37], %broadcast_in_dim3A_1 {strides = array<i32>} : memref<80x128xf32, #tpu.memory_space<vmem>>, vector<16xf32>,
      %swap3A_39 = arith.index_cast %add3A_30 : i32 to index
      %swap3A_40 = arith.constant 48 : index
      %swap3A_41 = tpu.vector_load %arg13[%swap3A_39, %swap3A_40] {strides = array<i32>} : memref<80x128xf32, #tpu.memory_space<vmem>>, vector<16xf32>,
      tpu.vector_store %arg13[%swap3A_39, %swap3A_40], %broadcast_in_dim3A_1 {strides = array<i32>} : memref<80x128xf32, #tpu.memory_space<vmem>>, vector<16xf32>,
      %swap3A_42 = arith.index_cast %add3A_30 : i32 to index
      %swap3A_43 = arith.constant 64 : index
      %swap3A_44 = tpu.vector_load %arg13[%swap3A_42, %swap3A_43] {strides = array<i32>} : memref<80x128xf32, #tpu.memory_space<vmem>>, vector<16xf32>,
      tpu.vector_store %arg13[%swap3A_42, %swap3A_43], %broadcast_in_dim3A_1 {strides = array<i32>} : memref<80x128xf32, #tpu.memory_space<vmem>>, vector<16xf32>,
      %swap3A_45 = arith.index_cast %add3A_30 : i32 to index
      %swap3A_46 = arith.constant 80 : index
      %swap3A_47 = tpu.vector_load %arg13[%swap3A_45, %swap3A_46] {strides = array<i32>} : memref<80x128xf32, #tpu.memory_space<vmem>>, vector<16xf32>,
      tpu.vector_store %arg13[%swap3A_45, %swap3A_46], %broadcast_in_dim3A_1 {strides = array<i32>} : memref<80x128xf32, #tpu.memory_space<vmem>>, vector<16xf32>,
      %swap3A_48 = arith.index_cast %add3A_30 : i32 to index
      %swap3A_49 = arith.constant 96 : index
      %swap3A_50 = tpu.vector_load %arg13[%swap3A_48, %swap3A_49] {strides = array<i32>} : memref<80x128xf32, #tpu.memory_space<vmem>>, vector<16xf32>,
      tpu.vector_store %arg13[%swap3A_48, %swap3A_49], %broadcast_in_dim3A_1 {strides = array<i32>} : memref<80x128xf32, #tpu.memory_space<vmem>>, vector<16xf32>,
      %swap3A_51 = arith.index_cast %add3A_30 : i32 to index
      %swap3A_52 = arith.constant 112 : index
      %swap3A_53 = tpu.vector_load %arg13[%swap3A_51, %swap3A_52] {strides = array<i32>} : memref<80x128xf32, #tpu.memory_space<vmem>>, vector<16xf32>,
      tpu.vector_store %arg13[%swap3A_51, %swap3A_52], %broadcast_in_dim3A_1 {strides = array<i32>} : memref<80x128xf32, #tpu.memory_space<vmem>>, vector<16xf32>,
    }
    %scan3A_10 = arith.constant 80 : i32
    %scan3A_11 = arith.constant 0 : i32
    %scan3A_12 = arith.constant 8 : i32
    %scan3A_13 = arith.addi %scan3A_11, %scan3A_12 : i32
    %scan3A_14 = arith.constant 1 : i32
    scf.for %scan3A_26 = %scan3A_11 to %scan3A_13 step %scan3A_14  : i32 {
      %mul3A_27 = arith.constant 1 : i32
      %mul3A_28 = arith.muli %scan3A_26, %mul3A_27 : i32
      %add3A_29 = arith.constant 0 : i32
      %add3A_30 = arith.addi %add3A_29, %mul3A_28 : i32
      %mul3A_31 = arith.constant 640 : i32
      %mul3A_32 = arith.muli %arg1, %mul3A_31 : i32
      %mul3A_33 = arith.constant 80 : i32
      %mul3A_34 = arith.muli %add3A_30, %mul3A_33 : i32
      %add3A_35 = arith.addi %mul3A_32, %mul3A_34 : i32
      "tpu.region"() ({
        %run_scoped3A = tpu.sem_alloc : memref<!tpu.dma_semaphore, #tpu.memory_space<semaphore_mem>>
        %dma_start3A = arith.constant 0 : i32
        %dma_start3A_36 = tpu.memref_slice %arg18[%add3A_35, %dma_start3A] : memref<10240x128xf32, #tpu.memory_space<vmem_shared>> -> memref<80x128xf32, #tpu.memory_space<vmem_shared>>
        %dma_start3A_37 = arith.constant 0 : i32
        %dma_start3A_38 = tpu.memref_slice %arg18[%add3A_35, %dma_start3A_37] : memref<10240x128xf32, #tpu.memory_space<vmem_shared>> -> memref<80x128xf32, #tpu.memory_space<vmem_shared>>
        tpu.enqueue_dma source(%arg13 : memref<80x128xf32, #tpu.memory_space<vmem>>) target(%dma_start3A_38 : memref<80x128xf32, #tpu.memory_space<vmem_shared>>) target_semaphore(%run_scoped3A : memref<!tpu.dma_semaphore, #tpu.memory_space<semaphore_mem>>)
        %dma_wait3A = arith.constant 0 : i32
        %dma_wait3A_39 = tpu.memref_slice %arg18[%add3A_35, %dma_wait3A] : memref<10240x128xf32, #tpu.memory_space<vmem_shared>> -> memref<80x128xf32, #tpu.memory_space<vmem_shared>>
        %dma_wait3A_40 = arith.constant 0 : i32
        %dma_wait3A_41 = tpu.memref_slice %arg18[%add3A_35, %dma_wait3A_40] : memref<10240x128xf32, #tpu.memory_space<vmem_shared>> -> memref<80x128xf32, #tpu.memory_space<vmem_shared>>
        tpu.wait_dma2 semaphore(%run_scoped3A : memref<!tpu.dma_semaphore, #tpu.memory_space<semaphore_mem>>) src(%arg13 : memref<80x128xf32, #tpu.memory_space<vmem>>) dst(%dma_wait3A_41 : memref<80x128xf32, #tpu.memory_space<vmem_shared>>)
        tpu.yield
      }) : () -> ()
    }
    %scan3A_15 = arith.constant 8 : i32
    %barrier3A = arith.constant 0 : index
    tpu.barrier barrier_id(%barrier3A)
    %scan3A_16 = arith.constant 0 : i32
    %scan3A_17 = arith.constant 5 : i32
    %scan3A_18 = arith.addi %scan3A_16, %scan3A_17 : i32
    %scan3A_19 = arith.constant 1 : i32
    scf.for %scan3A_26 = %scan3A_16 to %scan3A_18 step %scan3A_19  : i32 {
      %mul3A_27 = arith.constant 1 : i32
      %mul3A_28 = arith.muli %scan3A_26, %mul3A_27 : i32
      %add3A_29 = arith.constant 0 : i32
      %add3A_30 = arith.addi %add3A_29, %mul3A_28 : i32
      "tpu.region"() ({
        %run_scoped3A_119 = tpu.sem_alloc : memref<!tpu.dma_semaphore, #tpu.memory_space<semaphore_mem>>
        %dma_start3A_120 = arith.constant 0 : i32
        %dma_start3A_121 = arith.constant 0 : i32
        %dma_start3A_122 = tpu.memref_slice %arg4[%add3A, %add3A_30, %dma_start3A_120, %dma_start3A_121] : memref<32x5x25x80xi32, #tpu.memory_space<hbm>> -> memref<1x1x25x80xi32, #tpu.memory_space<hbm>>
        %dma_start3A_123 = tpu.memref_squeeze %dma_start3A_122 : memref<1x1x25x80xi32, #tpu.memory_space<hbm>> -> memref<25x80xi32, #tpu.memory_space<hbm>>
        %dma_start3A_124 = arith.constant 0 : i32
        %dma_start3A_125 = arith.constant 0 : i32
        %dma_start3A_126 = tpu.memref_slice %arg4[%add3A, %add3A_30, %dma_start3A_124, %dma_start3A_125] : memref<32x5x25x80xi32, #tpu.memory_space<hbm>> -> memref<1x1x25x80xi32, #tpu.memory_space<hbm>>
        %dma_start3A_127 = tpu.memref_squeeze %dma_start3A_126 : memref<1x1x25x80xi32, #tpu.memory_space<hbm>> -> memref<25x80xi32, #tpu.memory_space<hbm>>
        tpu.enqueue_dma source(%dma_start3A_127 : memref<25x80xi32, #tpu.memory_space<hbm>>) target(%arg10 : memref<25x80xi32, #tpu.memory_space<vmem>>) target_semaphore(%run_scoped3A_119 : memref<!tpu.dma_semaphore, #tpu.memory_space<semaphore_mem>>)
        %dma_wait3A_128 = arith.constant 0 : i32
        %dma_wait3A_129 = arith.constant 0 : i32
        %dma_wait3A_130 = tpu.memref_slice %arg4[%add3A, %add3A_30, %dma_wait3A_128, %dma_wait3A_129] : memref<32x5x25x80xi32, #tpu.memory_space<hbm>> -> memref<1x1x25x80xi32, #tpu.memory_space<hbm>>
        %dma_wait3A_131 = tpu.memref_squeeze %dma_wait3A_130 : memref<1x1x25x80xi32, #tpu.memory_space<hbm>> -> memref<25x80xi32, #tpu.memory_space<hbm>>
        %dma_wait3A_132 = arith.constant 0 : i32
        %dma_wait3A_133 = arith.constant 0 : i32
        %dma_wait3A_134 = tpu.memref_slice %arg4[%add3A, %add3A_30, %dma_wait3A_132, %dma_wait3A_133] : memref<32x5x25x80xi32, #tpu.memory_space<hbm>> -> memref<1x1x25x80xi32, #tpu.memory_space<hbm>>
        %dma_wait3A_135 = tpu.memref_squeeze %dma_wait3A_134 : memref<1x1x25x80xi32, #tpu.memory_space<hbm>> -> memref<25x80xi32, #tpu.memory_space<hbm>>
        tpu.wait_dma2 semaphore(%run_scoped3A_119 : memref<!tpu.dma_semaphore, #tpu.memory_space<semaphore_mem>>) src(%dma_wait3A_135 : memref<25x80xi32, #tpu.memory_space<hbm>>) dst(%arg10 : memref<25x80xi32, #tpu.memory_space<vmem>>)
        tpu.yield
      }) : () -> ()
      "tpu.region"() ({
        %run_scoped3A_119 = tpu.sem_alloc : memref<!tpu.dma_semaphore, #tpu.memory_space<semaphore_mem>>
        %dma_start3A_120 = arith.constant 0 : i32
        %dma_start3A_121 = arith.constant 0 : i32
        %dma_start3A_122 = tpu.memref_slice %arg5[%add3A, %add3A_30, %dma_start3A_120, %dma_start3A_121] : memref<32x5x25x80xi32, #tpu.memory_space<hbm>> -> memref<1x1x25x80xi32, #tpu.memory_space<hbm>>
        %dma_start3A_123 = tpu.memref_squeeze %dma_start3A_122 : memref<1x1x25x80xi32, #tpu.memory_space<hbm>> -> memref<25x80xi32, #tpu.memory_space<hbm>>
        %dma_start3A_124 = arith.constant 0 : i32
        %dma_start3A_125 = arith.constant 0 : i32
        %dma_start3A_126 = tpu.memref_slice %arg5[%add3A, %add3A_30, %dma_start3A_124, %dma_start3A_125] : memref<32x5x25x80xi32, #tpu.memory_space<hbm>> -> memref<1x1x25x80xi32, #tpu.memory_space<hbm>>
        %dma_start3A_127 = tpu.memref_squeeze %dma_start3A_126 : memref<1x1x25x80xi32, #tpu.memory_space<hbm>> -> memref<25x80xi32, #tpu.memory_space<hbm>>
        tpu.enqueue_dma source(%dma_start3A_127 : memref<25x80xi32, #tpu.memory_space<hbm>>) target(%arg11 : memref<25x80xi32, #tpu.memory_space<vmem>>) target_semaphore(%run_scoped3A_119 : memref<!tpu.dma_semaphore, #tpu.memory_space<semaphore_mem>>)
        %dma_wait3A_128 = arith.constant 0 : i32
        %dma_wait3A_129 = arith.constant 0 : i32
        %dma_wait3A_130 = tpu.memref_slice %arg5[%add3A, %add3A_30, %dma_wait3A_128, %dma_wait3A_129] : memref<32x5x25x80xi32, #tpu.memory_space<hbm>> -> memref<1x1x25x80xi32, #tpu.memory_space<hbm>>
        %dma_wait3A_131 = tpu.memref_squeeze %dma_wait3A_130 : memref<1x1x25x80xi32, #tpu.memory_space<hbm>> -> memref<25x80xi32, #tpu.memory_space<hbm>>
        %dma_wait3A_132 = arith.constant 0 : i32
        %dma_wait3A_133 = arith.constant 0 : i32
        %dma_wait3A_134 = tpu.memref_slice %arg5[%add3A, %add3A_30, %dma_wait3A_132, %dma_wait3A_133] : memref<32x5x25x80xi32, #tpu.memory_space<hbm>> -> memref<1x1x25x80xi32, #tpu.memory_space<hbm>>
        %dma_wait3A_135 = tpu.memref_squeeze %dma_wait3A_134 : memref<1x1x25x80xi32, #tpu.memory_space<hbm>> -> memref<25x80xi32, #tpu.memory_space<hbm>>
        tpu.wait_dma2 semaphore(%run_scoped3A_119 : memref<!tpu.dma_semaphore, #tpu.memory_space<semaphore_mem>>) src(%dma_wait3A_135 : memref<25x80xi32, #tpu.memory_space<hbm>>) dst(%arg11 : memref<25x80xi32, #tpu.memory_space<vmem>>)
        tpu.yield
      }) : () -> ()
      %scan3A_31 = arith.constant 0 : i32
      %scan3A_32 = arith.constant 12 : i32
      %scan3A_33 = arith.addi %scan3A_31, %scan3A_32 : i32
      %scan3A_34 = arith.constant 1 : i32
      scf.for %scan3A_119 = %scan3A_31 to %scan3A_33 step %scan3A_34  : i32 {
        %mul3A_120 = arith.constant 1 : i32
        %mul3A_121 = arith.muli %scan3A_119, %mul3A_120 : i32
        %add3A_122 = arith.constant 0 : i32
        %add3A_123 = arith.addi %add3A_122, %mul3A_121 : i32
        %mul3A_124 = arith.constant 2 : i32
        %mul3A_125 = arith.muli %add3A_123, %mul3A_124 : i32
        %add3A_126 = arith.constant 1 : i32
        %add3A_127 = arith.addi %mul3A_125, %add3A_126 : i32
        %dma_start3A_128 = arith.constant 0 : i32
        %dma_start3A_129 = tpu.memref_slice %arg10[%mul3A_125, %dma_start3A_128] : memref<25x80xi32, #tpu.memory_space<vmem>> -> memref<1x80xi32, #tpu.memory_space<vmem>>
        %dma_start3A_130 = tpu.memref_squeeze %dma_start3A_129 : memref<1x80xi32, #tpu.memory_space<vmem>> -> memref<80xi32, #tpu.memory_space<vmem>>
        %dma_start3A_131 = arith.constant 0 : i32
        %dma_start3A_132 = arith.constant 0 : i32
        %dma_start3A_133 = tpu.memref_slice %arg2[%dma_start3A_131, %dma_start3A_132] : memref<10000x128xf32, #tpu.memory_space<hbm>> -> memref<10000x128xf32, #tpu.memory_space<hbm>>
        tpu.enqueue_indirect_dma source(%dma_start3A_133 : memref<10000x128xf32, #tpu.memory_space<hbm>>) target(%arg13 : memref<80x128xf32, #tpu.memory_space<vmem>>) offsets(%dma_start3A_130 : memref<80xi32, #tpu.memory_space<vmem>>) semaphore(%arg19 : memref<!tpu.dma_semaphore, #tpu.memory_space<semaphore_mem>>)
        %get3A_134 = arith.index_cast %mul3A_125 : i32 to index
        %get3A_135 = arith.constant 0 : index
        %get3A_136 = tpu.vector_load %arg10[%get3A_134, %get3A_135] {strides = array<i32>} : memref<25x80xi32, #tpu.memory_space<vmem>>, vector<16xi32>,
        %get3A_137 = arith.index_cast %mul3A_125 : i32 to index
        %get3A_138 = arith.constant 0 : index
        %get3A_139 = tpu.vector_load %arg11[%get3A_137, %get3A_138] {strides = array<i32>} : memref<25x80xi32, #tpu.memory_space<vmem>>, vector<16xi32>,
        %gather3A_140 = tpu.vector_load_idx %arg8[%get3A_136] : memref<10000xf32, #tpu.memory_space<vmem>>[vector<16xi32>], vector<16xf32>,
        %gather3A_141 = tpu.vector_load_idx %arg8[%get3A_139] : memref<10000xf32, #tpu.memory_space<vmem>>[vector<16xi32>], vector<16xf32>,
        %add3A_142 = arith.addf %gather3A_140, %gather3A_141 : vector<16xf32>
        %exp3A_143 = math.exp %add3A_142 : vector<16xf32>
        %swap3A_144 = arith.constant 0 : index
        %swap3A_145 = tpu.vector_load %arg12[%swap3A_144] {strides = array<i32>} : memref<80xf32, #tpu.memory_space<vmem>>, vector<16xf32>,
        tpu.vector_store %arg12[%swap3A_144], %exp3A_143 {strides = array<i32>} : memref<80xf32, #tpu.memory_space<vmem>>, vector<16xf32>,
        tpu.vector_store_idx %arg9[%get3A_139], %exp3A_143 {add = true} : memref<10000xf32, #tpu.memory_space<vmem>>[vector<16xi32>], vector<16xf32>,
        %get3A_146 = arith.index_cast %mul3A_125 : i32 to index
        %get3A_147 = arith.constant 16 : index
        %get3A_148 = tpu.vector_load %arg10[%get3A_146, %get3A_147] {strides = array<i32>} : memref<25x80xi32, #tpu.memory_space<vmem>>, vector<16xi32>,
        %get3A_149 = arith.index_cast %mul3A_125 : i32 to index
        %get3A_150 = arith.constant 16 : index
        %get3A_151 = tpu.vector_load %arg11[%get3A_149, %get3A_150] {strides = array<i32>} : memref<25x80xi32, #tpu.memory_space<vmem>>, vector<16xi32>,
        %gather3A_152 = tpu.vector_load_idx %arg8[%get3A_148] : memref<10000xf32, #tpu.memory_space<vmem>>[vector<16xi32>], vector<16xf32>,
        %gather3A_153 = tpu.vector_load_idx %arg8[%get3A_151] : memref<10000xf32, #tpu.memory_space<vmem>>[vector<16xi32>], vector<16xf32>,
        %add3A_154 = arith.addf %gather3A_152, %gather3A_153 : vector<16xf32>
        %exp3A_155 = math.exp %add3A_154 : vector<16xf32>
        %swap3A_156 = arith.constant 16 : index
        %swap3A_157 = tpu.vector_load %arg12[%swap3A_156] {strides = array<i32>} : memref<80xf32, #tpu.memory_space<vmem>>, vector<16xf32>,
        tpu.vector_store %arg12[%swap3A_156], %exp3A_155 {strides = array<i32>} : memref<80xf32, #tpu.memory_space<vmem>>, vector<16xf32>,
        tpu.vector_store_idx %arg9[%get3A_151], %exp3A_155 {add = true} : memref<10000xf32, #tpu.memory_space<vmem>>[vector<16xi32>], vector<16xf32>,
        %get3A_158 = arith.index_cast %mul3A_125 : i32 to index
        %get3A_159 = arith.constant 32 : index
        %get3A_160 = tpu.vector_load %arg10[%get3A_158, %get3A_159] {strides = array<i32>} : memref<25x80xi32, #tpu.memory_space<vmem>>, vector<16xi32>,
        %get3A_161 = arith.index_cast %mul3A_125 : i32 to index
        %get3A_162 = arith.constant 32 : index
        %get3A_163 = tpu.vector_load %arg11[%get3A_161, %get3A_162] {strides = array<i32>} : memref<25x80xi32, #tpu.memory_space<vmem>>, vector<16xi32>,
        %gather3A_164 = tpu.vector_load_idx %arg8[%get3A_160] : memref<10000xf32, #tpu.memory_space<vmem>>[vector<16xi32>], vector<16xf32>,
        %gather3A_165 = tpu.vector_load_idx %arg8[%get3A_163] : memref<10000xf32, #tpu.memory_space<vmem>>[vector<16xi32>], vector<16xf32>,
        %add3A_166 = arith.addf %gather3A_164, %gather3A_165 : vector<16xf32>
        %exp3A_167 = math.exp %add3A_166 : vector<16xf32>
        %swap3A_168 = arith.constant 32 : index
        %swap3A_169 = tpu.vector_load %arg12[%swap3A_168] {strides = array<i32>} : memref<80xf32, #tpu.memory_space<vmem>>, vector<16xf32>,
        tpu.vector_store %arg12[%swap3A_168], %exp3A_167 {strides = array<i32>} : memref<80xf32, #tpu.memory_space<vmem>>, vector<16xf32>,
        tpu.vector_store_idx %arg9[%get3A_163], %exp3A_167 {add = true} : memref<10000xf32, #tpu.memory_space<vmem>>[vector<16xi32>], vector<16xf32>,
        %get3A_170 = arith.index_cast %mul3A_125 : i32 to index
        %get3A_171 = arith.constant 48 : index
        %get3A_172 = tpu.vector_load %arg10[%get3A_170, %get3A_171] {strides = array<i32>} : memref<25x80xi32, #tpu.memory_space<vmem>>, vector<16xi32>,
        %get3A_173 = arith.index_cast %mul3A_125 : i32 to index
        %get3A_174 = arith.constant 48 : index
        %get3A_175 = tpu.vector_load %arg11[%get3A_173, %get3A_174] {strides = array<i32>} : memref<25x80xi32, #tpu.memory_space<vmem>>, vector<16xi32>,
        %gather3A_176 = tpu.vector_load_idx %arg8[%get3A_172] : memref<10000xf32, #tpu.memory_space<vmem>>[vector<16xi32>], vector<16xf32>,
        %gather3A_177 = tpu.vector_load_idx %arg8[%get3A_175] : memref<10000xf32, #tpu.memory_space<vmem>>[vector<16xi32>], vector<16xf32>,
        %add3A_178 = arith.addf %gather3A_176, %gather3A_177 : vector<16xf32>
        %exp3A_179 = math.exp %add3A_178 : vector<16xf32>
        %swap3A_180 = arith.constant 48 : index
        %swap3A_181 = tpu.vector_load %arg12[%swap3A_180] {strides = array<i32>} : memref<80xf32, #tpu.memory_space<vmem>>, vector<16xf32>,
        tpu.vector_store %arg12[%swap3A_180], %exp3A_179 {strides = array<i32>} : memref<80xf32, #tpu.memory_space<vmem>>, vector<16xf32>,
        tpu.vector_store_idx %arg9[%get3A_175], %exp3A_179 {add = true} : memref<10000xf32, #tpu.memory_space<vmem>>[vector<16xi32>], vector<16xf32>,
        %get3A_182 = arith.index_cast %mul3A_125 : i32 to index
        %get3A_183 = arith.constant 64 : index
        %get3A_184 = tpu.vector_load %arg10[%get3A_182, %get3A_183] {strides = array<i32>} : memref<25x80xi32, #tpu.memory_space<vmem>>, vector<16xi32>,
        %get3A_185 = arith.index_cast %mul3A_125 : i32 to index
        %get3A_186 = arith.constant 64 : index
        %get3A_187 = tpu.vector_load %arg11[%get3A_185, %get3A_186] {strides = array<i32>} : memref<25x80xi32, #tpu.memory_space<vmem>>, vector<16xi32>,
        %gather3A_188 = tpu.vector_load_idx %arg8[%get3A_184] : memref<10000xf32, #tpu.memory_space<vmem>>[vector<16xi32>], vector<16xf32>,
        %gather3A_189 = tpu.vector_load_idx %arg8[%get3A_187] : memref<10000xf32, #tpu.memory_space<vmem>>[vector<16xi32>], vector<16xf32>,
        %add3A_190 = arith.addf %gather3A_188, %gather3A_189 : vector<16xf32>
        %exp3A_191 = math.exp %add3A_190 : vector<16xf32>
        %swap3A_192 = arith.constant 64 : index
        %swap3A_193 = tpu.vector_load %arg12[%swap3A_192] {strides = array<i32>} : memref<80xf32, #tpu.memory_space<vmem>>, vector<16xf32>,
        tpu.vector_store %arg12[%swap3A_192], %exp3A_191 {strides = array<i32>} : memref<80xf32, #tpu.memory_space<vmem>>, vector<16xf32>,
        tpu.vector_store_idx %arg9[%get3A_187], %exp3A_191 {add = true} : memref<10000xf32, #tpu.memory_space<vmem>>[vector<16xi32>], vector<16xf32>,
        %dma_start3A_194 = arith.constant 0 : i32
        %dma_start3A_195 = tpu.memref_slice %arg10[%add3A_127, %dma_start3A_194] : memref<25x80xi32, #tpu.memory_space<vmem>> -> memref<1x80xi32, #tpu.memory_space<vmem>>
        %dma_start3A_196 = tpu.memref_squeeze %dma_start3A_195 : memref<1x80xi32, #tpu.memory_space<vmem>> -> memref<80xi32, #tpu.memory_space<vmem>>
        %dma_start3A_197 = arith.constant 0 : i32
        %dma_start3A_198 = arith.constant 0 : i32
        %dma_start3A_199 = tpu.memref_slice %arg2[%dma_start3A_197, %dma_start3A_198] : memref<10000x128xf32, #tpu.memory_space<hbm>> -> memref<10000x128xf32, #tpu.memory_space<hbm>>
        tpu.enqueue_indirect_dma source(%dma_start3A_199 : memref<10000x128xf32, #tpu.memory_space<hbm>>) target(%arg15 : memref<80x128xf32, #tpu.memory_space<vmem>>) offsets(%dma_start3A_196 : memref<80xi32, #tpu.memory_space<vmem>>) semaphore(%arg16 : memref<!tpu.dma_semaphore, #tpu.memory_space<semaphore_mem>>)
        %get3A_200 = arith.index_cast %add3A_127 : i32 to index
        %get3A_201 = arith.constant 0 : index
        %get3A_202 = tpu.vector_load %arg10[%get3A_200, %get3A_201] {strides = array<i32>} : memref<25x80xi32, #tpu.memory_space<vmem>>, vector<16xi32>,
        %get3A_203 = arith.index_cast %add3A_127 : i32 to index
        %get3A_204 = arith.constant 0 : index
        %get3A_205 = tpu.vector_load %arg11[%get3A_203, %get3A_204] {strides = array<i32>} : memref<25x80xi32, #tpu.memory_space<vmem>>, vector<16xi32>,
        %gather3A_206 = tpu.vector_load_idx %arg8[%get3A_202] : memref<10000xf32, #tpu.memory_space<vmem>>[vector<16xi32>], vector<16xf32>,
        %gather3A_207 = tpu.vector_load_idx %arg8[%get3A_205] : memref<10000xf32, #tpu.memory_space<vmem>>[vector<16xi32>], vector<16xf32>,
        %add3A_208 = arith.addf %gather3A_206, %gather3A_207 : vector<16xf32>
        %exp3A_209 = math.exp %add3A_208 : vector<16xf32>
        %swap3A_210 = arith.constant 0 : index
        %swap3A_211 = tpu.vector_load %arg14[%swap3A_210] {strides = array<i32>} : memref<80xf32, #tpu.memory_space<vmem>>, vector<16xf32>,
        tpu.vector_store %arg14[%swap3A_210], %exp3A_209 {strides = array<i32>} : memref<80xf32, #tpu.memory_space<vmem>>, vector<16xf32>,
        tpu.vector_store_idx %arg9[%get3A_205], %exp3A_209 {add = true} : memref<10000xf32, #tpu.memory_space<vmem>>[vector<16xi32>], vector<16xf32>,
        %get3A_212 = arith.index_cast %add3A_127 : i32 to index
        %get3A_213 = arith.constant 16 : index
        %get3A_214 = tpu.vector_load %arg10[%get3A_212, %get3A_213] {strides = array<i32>} : memref<25x80xi32, #tpu.memory_space<vmem>>, vector<16xi32>,
        %get3A_215 = arith.index_cast %add3A_127 : i32 to index
        %get3A_216 = arith.constant 16 : index
        %get3A_217 = tpu.vector_load %arg11[%get3A_215, %get3A_216] {strides = array<i32>} : memref<25x80xi32, #tpu.memory_space<vmem>>, vector<16xi32>,
        %gather3A_218 = tpu.vector_load_idx %arg8[%get3A_214] : memref<10000xf32, #tpu.memory_space<vmem>>[vector<16xi32>], vector<16xf32>,
        %gather3A_219 = tpu.vector_load_idx %arg8[%get3A_217] : memref<10000xf32, #tpu.memory_space<vmem>>[vector<16xi32>], vector<16xf32>,
        %add3A_220 = arith.addf %gather3A_218, %gather3A_219 : vector<16xf32>
        %exp3A_221 = math.exp %add3A_220 : vector<16xf32>
        %swap3A_222 = arith.constant 16 : index
        %swap3A_223 = tpu.vector_load %arg14[%swap3A_222] {strides = array<i32>} : memref<80xf32, #tpu.memory_space<vmem>>, vector<16xf32>,
        tpu.vector_store %arg14[%swap3A_222], %exp3A_221 {strides = array<i32>} : memref<80xf32, #tpu.memory_space<vmem>>, vector<16xf32>,
        tpu.vector_store_idx %arg9[%get3A_217], %exp3A_221 {add = true} : memref<10000xf32, #tpu.memory_space<vmem>>[vector<16xi32>], vector<16xf32>,
        %get3A_224 = arith.index_cast %add3A_127 : i32 to index
        %get3A_225 = arith.constant 32 : index
        %get3A_226 = tpu.vector_load %arg10[%get3A_224, %get3A_225] {strides = array<i32>} : memref<25x80xi32, #tpu.memory_space<vmem>>, vector<16xi32>,
        %get3A_227 = arith.index_cast %add3A_127 : i32 to index
        %get3A_228 = arith.constant 32 : index
        %get3A_229 = tpu.vector_load %arg11[%get3A_227, %get3A_228] {strides = array<i32>} : memref<25x80xi32, #tpu.memory_space<vmem>>, vector<16xi32>,
        %gather3A_230 = tpu.vector_load_idx %arg8[%get3A_226] : memref<10000xf32, #tpu.memory_space<vmem>>[vector<16xi32>], vector<16xf32>,
        %gather3A_231 = tpu.vector_load_idx %arg8[%get3A_229] : memref<10000xf32, #tpu.memory_space<vmem>>[vector<16xi32>], vector<16xf32>,
        %add3A_232 = arith.addf %gather3A_230, %gather3A_231 : vector<16xf32>
        %exp3A_233 = math.exp %add3A_232 : vector<16xf32>
        %swap3A_234 = arith.constant 32 : index
        %swap3A_235 = tpu.vector_load %arg14[%swap3A_234] {strides = array<i32>} : memref<80xf32, #tpu.memory_space<vmem>>, vector<16xf32>,
        tpu.vector_store %arg14[%swap3A_234], %exp3A_233 {strides = array<i32>} : memref<80xf32, #tpu.memory_space<vmem>>, vector<16xf32>,
        tpu.vector_store_idx %arg9[%get3A_229], %exp3A_233 {add = true} : memref<10000xf32, #tpu.memory_space<vmem>>[vector<16xi32>], vector<16xf32>,
        %get3A_236 = arith.index_cast %add3A_127 : i32 to index
        %get3A_237 = arith.constant 48 : index
        %get3A_238 = tpu.vector_load %arg10[%get3A_236, %get3A_237] {strides = array<i32>} : memref<25x80xi32, #tpu.memory_space<vmem>>, vector<16xi32>,
        %get3A_239 = arith.index_cast %add3A_127 : i32 to index
        %get3A_240 = arith.constant 48 : index
        %get3A_241 = tpu.vector_load %arg11[%get3A_239, %get3A_240] {strides = array<i32>} : memref<25x80xi32, #tpu.memory_space<vmem>>, vector<16xi32>,
        %gather3A_242 = tpu.vector_load_idx %arg8[%get3A_238] : memref<10000xf32, #tpu.memory_space<vmem>>[vector<16xi32>], vector<16xf32>,
        %gather3A_243 = tpu.vector_load_idx %arg8[%get3A_241] : memref<10000xf32, #tpu.memory_space<vmem>>[vector<16xi32>], vector<16xf32>,
        %add3A_244 = arith.addf %gather3A_242, %gather3A_243 : vector<16xf32>
        %exp3A_245 = math.exp %add3A_244 : vector<16xf32>
        %swap3A_246 = arith.constant 48 : index
        %swap3A_247 = tpu.vector_load %arg14[%swap3A_246] {strides = array<i32>} : memref<80xf32, #tpu.memory_space<vmem>>, vector<16xf32>,
        tpu.vector_store %arg14[%swap3A_246], %exp3A_245 {strides = array<i32>} : memref<80xf32, #tpu.memory_space<vmem>>, vector<16xf32>,
        tpu.vector_store_idx %arg9[%get3A_241], %exp3A_245 {add = true} : memref<10000xf32, #tpu.memory_space<vmem>>[vector<16xi32>], vector<16xf32>,
        %get3A_248 = arith.index_cast %add3A_127 : i32 to index
        %get3A_249 = arith.constant 64 : index
        %get3A_250 = tpu.vector_load %arg10[%get3A_248, %get3A_249] {strides = array<i32>} : memref<25x80xi32, #tpu.memory_space<vmem>>, vector<16xi32>,
        %get3A_251 = arith.index_cast %add3A_127 : i32 to index
        %get3A_252 = arith.constant 64 : index
        %get3A_253 = tpu.vector_load %arg11[%get3A_251, %get3A_252] {strides = array<i32>} : memref<25x80xi32, #tpu.memory_space<vmem>>, vector<16xi32>,
        %gather3A_254 = tpu.vector_load_idx %arg8[%get3A_250] : memref<10000xf32, #tpu.memory_space<vmem>>[vector<16xi32>], vector<16xf32>,
        %gather3A_255 = tpu.vector_load_idx %arg8[%get3A_253] : memref<10000xf32, #tpu.memory_space<vmem>>[vector<16xi32>], vector<16xf32>,
        %add3A_256 = arith.addf %gather3A_254, %gather3A_255 : vector<16xf32>
        %exp3A_257 = math.exp %add3A_256 : vector<16xf32>
        %swap3A_258 = arith.constant 64 : index
        %swap3A_259 = tpu.vector_load %arg14[%swap3A_258] {strides = array<i32>} : memref<80xf32, #tpu.memory_space<vmem>>, vector<16xf32>,
        tpu.vector_store %arg14[%swap3A_258], %exp3A_257 {strides = array<i32>} : memref<80xf32, #tpu.memory_space<vmem>>, vector<16xf32>,
        tpu.vector_store_idx %arg9[%get3A_253], %exp3A_257 {add = true} : memref<10000xf32, #tpu.memory_space<vmem>>[vector<16xi32>], vector<16xf32>,
        %dma_wait3A_260 = arith.constant 0 : i32
        %dma_wait3A_261 = tpu.memref_slice %arg10[%mul3A_125, %dma_wait3A_260] : memref<25x80xi32, #tpu.memory_space<vmem>> -> memref<1x80xi32, #tpu.memory_space<vmem>>
        %dma_wait3A_262 = tpu.memref_squeeze %dma_wait3A_261 : memref<1x80xi32, #tpu.memory_space<vmem>> -> memref<80xi32, #tpu.memory_space<vmem>>
        %dma_wait3A_263 = arith.constant 0 : i32
        %dma_wait3A_264 = arith.constant 0 : i32
        %dma_wait3A_265 = tpu.memref_slice %arg2[%dma_wait3A_263, %dma_wait3A_264] : memref<10000x128xf32, #tpu.memory_space<hbm>> -> memref<10000x128xf32, #tpu.memory_space<hbm>>
        tpu.wait_indirect_dma semaphore(%arg19 : memref<!tpu.dma_semaphore, #tpu.memory_space<semaphore_mem>>) src(%dma_wait3A_265 : memref<10000x128xf32, #tpu.memory_space<hbm>>) dst(%arg13 : memref<80x128xf32, #tpu.memory_space<vmem>>)
        %scan3A_266 = arith.constant 0 : i32
        %scan3A_267 = arith.constant 80 : i32
        %scan3A_268 = arith.addi %scan3A_266, %scan3A_267 : i32
        %scan3A_269 = arith.constant 1 : i32
        scf.for %scan3A_294 = %scan3A_266 to %scan3A_268 step %scan3A_269  : i32 {
          %mul3A_295 = arith.constant 1 : i32
          %mul3A_296 = arith.muli %scan3A_294, %mul3A_295 : i32
          %add3A_297 = arith.constant 0 : i32
          %add3A_298 = arith.addi %add3A_297, %mul3A_296 : i32
          %broadcast_in_dim3A_299 = arith.constant 0 : i32
          %broadcast_in_dim3A_300 = vector.broadcast %broadcast_in_dim3A_299 : i32 to vector<16xi32>
          %add3A_301 = vector.broadcast %add3A_298 : i32 to vector<16xi32>
          %add3A_302 = arith.addi %broadcast_in_dim3A_300, %add3A_301 : vector<16xi32>
          %gather3A_303 = tpu.vector_load_idx %arg12[%add3A_302] : memref<80xf32, #tpu.memory_space<vmem>>[vector<16xi32>], vector<16xf32>,
          %get3A_304 = arith.index_cast %add3A_298 : i32 to index
          %get3A_305 = arith.constant 0 : index
          %get3A_306 = tpu.vector_load %arg13[%get3A_304, %get3A_305] {strides = array<i32>} : memref<80x128xf32, #tpu.memory_space<vmem>>, vector<16xf32>,
          %mul3A_307 = arith.mulf %get3A_306, %gather3A_303 : vector<16xf32>
          %swap3A_308 = arith.index_cast %add3A_298 : i32 to index
          %swap3A_309 = arith.constant 0 : index
          %swap3A_310 = tpu.vector_load %arg13[%swap3A_308, %swap3A_309] {strides = array<i32>} : memref<80x128xf32, #tpu.memory_space<vmem>>, vector<16xf32>,
          tpu.vector_store %arg13[%swap3A_308, %swap3A_309], %mul3A_307 {strides = array<i32>} : memref<80x128xf32, #tpu.memory_space<vmem>>, vector<16xf32>,
          %get3A_311 = arith.index_cast %add3A_298 : i32 to index
          %get3A_312 = arith.constant 16 : index
          %get3A_313 = tpu.vector_load %arg13[%get3A_311, %get3A_312] {strides = array<i32>} : memref<80x128xf32, #tpu.memory_space<vmem>>, vector<16xf32>,
          %mul3A_314 = arith.mulf %get3A_313, %gather3A_303 : vector<16xf32>
          %swap3A_315 = arith.index_cast %add3A_298 : i32 to index
          %swap3A_316 = arith.constant 16 : index
          %swap3A_317 = tpu.vector_load %arg13[%swap3A_315, %swap3A_316] {strides = array<i32>} : memref<80x128xf32, #tpu.memory_space<vmem>>, vector<16xf32>,
          tpu.vector_store %arg13[%swap3A_315, %swap3A_316], %mul3A_314 {strides = array<i32>} : memref<80x128xf32, #tpu.memory_space<vmem>>, vector<16xf32>,
          %get3A_318 = arith.index_cast %add3A_298 : i32 to index
          %get3A_319 = arith.constant 32 : index
          %get3A_320 = tpu.vector_load %arg13[%get3A_318, %get3A_319] {strides = array<i32>} : memref<80x128xf32, #tpu.memory_space<vmem>>, vector<16xf32>,
          %mul3A_321 = arith.mulf %get3A_320, %gather3A_303 : vector<16xf32>
          %swap3A_322 = arith.index_cast %add3A_298 : i32 to index
          %swap3A_323 = arith.constant 32 : index
          %swap3A_324 = tpu.vector_load %arg13[%swap3A_322, %swap3A_323] {strides = array<i32>} : memref<80x128xf32, #tpu.memory_space<vmem>>, vector<16xf32>,
          tpu.vector_store %arg13[%swap3A_322, %swap3A_323], %mul3A_321 {strides = array<i32>} : memref<80x128xf32, #tpu.memory_space<vmem>>, vector<16xf32>,
          %get3A_325 = arith.index_cast %add3A_298 : i32 to index
          %get3A_326 = arith.constant 48 : index
          %get3A_327 = tpu.vector_load %arg13[%get3A_325, %get3A_326] {strides = array<i32>} : memref<80x128xf32, #tpu.memory_space<vmem>>, vector<16xf32>,
          %mul3A_328 = arith.mulf %get3A_327, %gather3A_303 : vector<16xf32>
          %swap3A_329 = arith.index_cast %add3A_298 : i32 to index
          %swap3A_330 = arith.constant 48 : index
          %swap3A_331 = tpu.vector_load %arg13[%swap3A_329, %swap3A_330] {strides = array<i32>} : memref<80x128xf32, #tpu.memory_space<vmem>>, vector<16xf32>,
          tpu.vector_store %arg13[%swap3A_329, %swap3A_330], %mul3A_328 {strides = array<i32>} : memref<80x128xf32, #tpu.memory_space<vmem>>, vector<16xf32>,
          %get3A_332 = arith.index_cast %add3A_298 : i32 to index
          %get3A_333 = arith.constant 64 : index
          %get3A_334 = tpu.vector_load %arg13[%get3A_332, %get3A_333] {strides = array<i32>} : memref<80x128xf32, #tpu.memory_space<vmem>>, vector<16xf32>,
          %mul3A_335 = arith.mulf %get3A_334, %gather3A_303 : vector<16xf32>
          %swap3A_336 = arith.index_cast %add3A_298 : i32 to index
          %swap3A_337 = arith.constant 64 : index
          %swap3A_338 = tpu.vector_load %arg13[%swap3A_336, %swap3A_337] {strides = array<i32>} : memref<80x128xf32, #tpu.memory_space<vmem>>, vector<16xf32>,
          tpu.vector_store %arg13[%swap3A_336, %swap3A_337], %mul3A_335 {strides = array<i32>} : memref<80x128xf32, #tpu.memory_space<vmem>>, vector<16xf32>,
          %get3A_339 = arith.index_cast %add3A_298 : i32 to index
          %get3A_340 = arith.constant 80 : index
          %get3A_341 = tpu.vector_load %arg13[%get3A_339, %get3A_340] {strides = array<i32>} : memref<80x128xf32, #tpu.memory_space<vmem>>, vector<16xf32>,
          %mul3A_342 = arith.mulf %get3A_341, %gather3A_303 : vector<16xf32>
          %swap3A_343 = arith.index_cast %add3A_298 : i32 to index
          %swap3A_344 = arith.constant 80 : index
          %swap3A_345 = tpu.vector_load %arg13[%swap3A_343, %swap3A_344] {strides = array<i32>} : memref<80x128xf32, #tpu.memory_space<vmem>>, vector<16xf32>,
          tpu.vector_store %arg13[%swap3A_343, %swap3A_344], %mul3A_342 {strides = array<i32>} : memref<80x128xf32, #tpu.memory_space<vmem>>, vector<16xf32>,
          %get3A_346 = arith.index_cast %add3A_298 : i32 to index
          %get3A_347 = arith.constant 96 : index
          %get3A_348 = tpu.vector_load %arg13[%get3A_346, %get3A_347] {strides = array<i32>} : memref<80x128xf32, #tpu.memory_space<vmem>>, vector<16xf32>,
          %mul3A_349 = arith.mulf %get3A_348, %gather3A_303 : vector<16xf32>
          %swap3A_350 = arith.index_cast %add3A_298 : i32 to index
          %swap3A_351 = arith.constant 96 : index
          %swap3A_352 = tpu.vector_load %arg13[%swap3A_350, %swap3A_351] {strides = array<i32>} : memref<80x128xf32, #tpu.memory_space<vmem>>, vector<16xf32>,
          tpu.vector_store %arg13[%swap3A_350, %swap3A_351], %mul3A_349 {strides = array<i32>} : memref<80x128xf32, #tpu.memory_space<vmem>>, vector<16xf32>,
          %get3A_353 = arith.index_cast %add3A_298 : i32 to index
          %get3A_354 = arith.constant 112 : index
          %get3A_355 = tpu.vector_load %arg13[%get3A_353, %get3A_354] {strides = array<i32>} : memref<80x128xf32, #tpu.memory_space<vmem>>, vector<16xf32>,
          %mul3A_356 = arith.mulf %get3A_355, %gather3A_303 : vector<16xf32>
          %swap3A_357 = arith.index_cast %add3A_298 : i32 to index
          %swap3A_358 = arith.constant 112 : index
          %swap3A_359 = tpu.vector_load %arg13[%swap3A_357, %swap3A_358] {strides = array<i32>} : memref<80x128xf32, #tpu.memory_space<vmem>>, vector<16xf32>,
          tpu.vector_store %arg13[%swap3A_357, %swap3A_358], %mul3A_356 {strides = array<i32>} : memref<80x128xf32, #tpu.memory_space<vmem>>, vector<16xf32>,
        }
        %scan3A_270 = arith.constant 80 : i32
        %dma_start3A_271 = arith.constant 0 : i32
        %dma_start3A_272 = tpu.memref_slice %arg11[%mul3A_125, %dma_start3A_271] : memref<25x80xi32, #tpu.memory_space<vmem>> -> memref<1x80xi32, #tpu.memory_space<vmem>>
        %dma_start3A_273 = tpu.memref_squeeze %dma_start3A_272 : memref<1x80xi32, #tpu.memory_space<vmem>> -> memref<80xi32, #tpu.memory_space<vmem>>
        %dma_start3A_274 = arith.constant 0 : i32
        %dma_start3A_275 = arith.constant 0 : i32
        %dma_start3A_276 = tpu.memref_slice %arg18[%dma_start3A_274, %dma_start3A_275] : memref<10240x128xf32, #tpu.memory_space<vmem_shared>> -> memref<10240x128xf32, #tpu.memory_space<vmem_shared>>
        tpu.enqueue_indirect_dma source(%arg13 : memref<80x128xf32, #tpu.memory_space<vmem>>) target(%dma_start3A_276 : memref<10240x128xf32, #tpu.memory_space<vmem_shared>>) offsets(%dma_start3A_273 : memref<80xi32, #tpu.memory_space<vmem>>) semaphore(%arg17 : memref<!tpu.dma_semaphore, #tpu.memory_space<semaphore_mem>>) {add = true}
        %dma_wait3A_277 = arith.constant 0 : i32
        %dma_wait3A_278 = tpu.memref_slice %arg10[%add3A_127, %dma_wait3A_277] : memref<25x80xi32, #tpu.memory_space<vmem>> -> memref<1x80xi32, #tpu.memory_space<vmem>>
        %dma_wait3A_279 = tpu.memref_squeeze %dma_wait3A_278 : memref<1x80xi32, #tpu.memory_space<vmem>> -> memref<80xi32, #tpu.memory_space<vmem>>
        %dma_wait3A_280 = arith.constant 0 : i32
        %dma_wait3A_281 = arith.constant 0 : i32
        %dma_wait3A_282 = tpu.memref_slice %arg2[%dma_wait3A_280, %dma_wait3A_281] : memref<10000x128xf32, #tpu.memory_space<hbm>> -> memref<10000x128xf32, #tpu.memory_space<hbm>>
        tpu.wait_indirect_dma semaphore(%arg16 : memref<!tpu.dma_semaphore, #tpu.memory_space<semaphore_mem>>) src(%dma_wait3A_282 : memref<10000x128xf32, #tpu.memory_space<hbm>>) dst(%arg15 : memref<80x128xf32, #tpu.memory_space<vmem>>)
        %scan3A_283 = arith.constant 0 : i32
        %scan3A_284 = arith.constant 80 : i32
        %scan3A_285 = arith.addi %scan3A_283, %scan3A_284 : i32
        %scan3A_286 = arith.constant 1 : i32
        scf.for %scan3A_294 = %scan3A_283 to %scan3A_285 step %scan3A_286  : i32 {
          %mul3A_295 = arith.constant 1 : i32
          %mul3A_296 = arith.muli %scan3A_294, %mul3A_295 : i32
          %add3A_297 = arith.constant 0 : i32
          %add3A_298 = arith.addi %add3A_297, %mul3A_296 : i32
          %broadcast_in_dim3A_299 = arith.constant 0 : i32
          %broadcast_in_dim3A_300 = vector.broadcast %broadcast_in_dim3A_299 : i32 to vector<16xi32>
          %add3A_301 = vector.broadcast %add3A_298 : i32 to vector<16xi32>
          %add3A_302 = arith.addi %broadcast_in_dim3A_300, %add3A_301 : vector<16xi32>
          %gather3A_303 = tpu.vector_load_idx %arg14[%add3A_302] : memref<80xf32, #tpu.memory_space<vmem>>[vector<16xi32>], vector<16xf32>,
          %get3A_304 = arith.index_cast %add3A_298 : i32 to index
          %get3A_305 = arith.constant 0 : index
          %get3A_306 = tpu.vector_load %arg15[%get3A_304, %get3A_305] {strides = array<i32>} : memref<80x128xf32, #tpu.memory_space<vmem>>, vector<16xf32>,
          %mul3A_307 = arith.mulf %get3A_306, %gather3A_303 : vector<16xf32>
          %swap3A_308 = arith.index_cast %add3A_298 : i32 to index
          %swap3A_309 = arith.constant 0 : index
          %swap3A_310 = tpu.vector_load %arg15[%swap3A_308, %swap3A_309] {strides = array<i32>} : memref<80x128xf32, #tpu.memory_space<vmem>>, vector<16xf32>,
          tpu.vector_store %arg15[%swap3A_308, %swap3A_309], %mul3A_307 {strides = array<i32>} : memref<80x128xf32, #tpu.memory_space<vmem>>, vector<16xf32>,
          %get3A_311 = arith.index_cast %add3A_298 : i32 to index
          %get3A_312 = arith.constant 16 : index
          %get3A_313 = tpu.vector_load %arg15[%get3A_311, %get3A_312] {strides = array<i32>} : memref<80x128xf32, #tpu.memory_space<vmem>>, vector<16xf32>,
          %mul3A_314 = arith.mulf %get3A_313, %gather3A_303 : vector<16xf32>
          %swap3A_315 = arith.index_cast %add3A_298 : i32 to index
          %swap3A_316 = arith.constant 16 : index
          %swap3A_317 = tpu.vector_load %arg15[%swap3A_315, %swap3A_316] {strides = array<i32>} : memref<80x128xf32, #tpu.memory_space<vmem>>, vector<16xf32>,
          tpu.vector_store %arg15[%swap3A_315, %swap3A_316], %mul3A_314 {strides = array<i32>} : memref<80x128xf32, #tpu.memory_space<vmem>>, vector<16xf32>,
          %get3A_318 = arith.index_cast %add3A_298 : i32 to index
          %get3A_319 = arith.constant 32 : index
          %get3A_320 = tpu.vector_load %arg15[%get3A_318, %get3A_319] {strides = array<i32>} : memref<80x128xf32, #tpu.memory_space<vmem>>, vector<16xf32>,
          %mul3A_321 = arith.mulf %get3A_320, %gather3A_303 : vector<16xf32>
          %swap3A_322 = arith.index_cast %add3A_298 : i32 to index
          %swap3A_323 = arith.constant 32 : index
          %swap3A_324 = tpu.vector_load %arg15[%swap3A_322, %swap3A_323] {strides = array<i32>} : memref<80x128xf32, #tpu.memory_space<vmem>>, vector<16xf32>,
          tpu.vector_store %arg15[%swap3A_322, %swap3A_323], %mul3A_321 {strides = array<i32>} : memref<80x128xf32, #tpu.memory_space<vmem>>, vector<16xf32>,
          %get3A_325 = arith.index_cast %add3A_298 : i32 to index
          %get3A_326 = arith.constant 48 : index
          %get3A_327 = tpu.vector_load %arg15[%get3A_325, %get3A_326] {strides = array<i32>} : memref<80x128xf32, #tpu.memory_space<vmem>>, vector<16xf32>,
          %mul3A_328 = arith.mulf %get3A_327, %gather3A_303 : vector<16xf32>
          %swap3A_329 = arith.index_cast %add3A_298 : i32 to index
          %swap3A_330 = arith.constant 48 : index
          %swap3A_331 = tpu.vector_load %arg15[%swap3A_329, %swap3A_330] {strides = array<i32>} : memref<80x128xf32, #tpu.memory_space<vmem>>, vector<16xf32>,
          tpu.vector_store %arg15[%swap3A_329, %swap3A_330], %mul3A_328 {strides = array<i32>} : memref<80x128xf32, #tpu.memory_space<vmem>>, vector<16xf32>,
          %get3A_332 = arith.index_cast %add3A_298 : i32 to index
          %get3A_333 = arith.constant 64 : index
          %get3A_334 = tpu.vector_load %arg15[%get3A_332, %get3A_333] {strides = array<i32>} : memref<80x128xf32, #tpu.memory_space<vmem>>, vector<16xf32>,
          %mul3A_335 = arith.mulf %get3A_334, %gather3A_303 : vector<16xf32>
          %swap3A_336 = arith.index_cast %add3A_298 : i32 to index
          %swap3A_337 = arith.constant 64 : index
          %swap3A_338 = tpu.vector_load %arg15[%swap3A_336, %swap3A_337] {strides = array<i32>} : memref<80x128xf32, #tpu.memory_space<vmem>>, vector<16xf32>,
          tpu.vector_store %arg15[%swap3A_336, %swap3A_337], %mul3A_335 {strides = array<i32>} : memref<80x128xf32, #tpu.memory_space<vmem>>, vector<16xf32>,
          %get3A_339 = arith.index_cast %add3A_298 : i32 to index
          %get3A_340 = arith.constant 80 : index
          %get3A_341 = tpu.vector_load %arg15[%get3A_339, %get3A_340] {strides = array<i32>} : memref<80x128xf32, #tpu.memory_space<vmem>>, vector<16xf32>,
          %mul3A_342 = arith.mulf %get3A_341, %gather3A_303 : vector<16xf32>
          %swap3A_343 = arith.index_cast %add3A_298 : i32 to index
          %swap3A_344 = arith.constant 80 : index
          %swap3A_345 = tpu.vector_load %arg15[%swap3A_343, %swap3A_344] {strides = array<i32>} : memref<80x128xf32, #tpu.memory_space<vmem>>, vector<16xf32>,
          tpu.vector_store %arg15[%swap3A_343, %swap3A_344], %mul3A_342 {strides = array<i32>} : memref<80x128xf32, #tpu.memory_space<vmem>>, vector<16xf32>,
          %get3A_346 = arith.index_cast %add3A_298 : i32 to index
          %get3A_347 = arith.constant 96 : index
          %get3A_348 = tpu.vector_load %arg15[%get3A_346, %get3A_347] {strides = array<i32>} : memref<80x128xf32, #tpu.memory_space<vmem>>, vector<16xf32>,
          %mul3A_349 = arith.mulf %get3A_348, %gather3A_303 : vector<16xf32>
          %swap3A_350 = arith.index_cast %add3A_298 : i32 to index
          %swap3A_351 = arith.constant 96 : index
          %swap3A_352 = tpu.vector_load %arg15[%swap3A_350, %swap3A_351] {strides = array<i32>} : memref<80x128xf32, #tpu.memory_space<vmem>>, vector<16xf32>,
          tpu.vector_store %arg15[%swap3A_350, %swap3A_351], %mul3A_349 {strides = array<i32>} : memref<80x128xf32, #tpu.memory_space<vmem>>, vector<16xf32>,
          %get3A_353 = arith.index_cast %add3A_298 : i32 to index
          %get3A_354 = arith.constant 112 : index
          %get3A_355 = tpu.vector_load %arg15[%get3A_353, %get3A_354] {strides = array<i32>} : memref<80x128xf32, #tpu.memory_space<vmem>>, vector<16xf32>,
          %mul3A_356 = arith.mulf %get3A_355, %gather3A_303 : vector<16xf32>
          %swap3A_357 = arith.index_cast %add3A_298 : i32 to index
          %swap3A_358 = arith.constant 112 : index
          %swap3A_359 = tpu.vector_load %arg15[%swap3A_357, %swap3A_358] {strides = array<i32>} : memref<80x128xf32, #tpu.memory_space<vmem>>, vector<16xf32>,
          tpu.vector_store %arg15[%swap3A_357, %swap3A_358], %mul3A_356 {strides = array<i32>} : memref<80x128xf32, #tpu.memory_space<vmem>>, vector<16xf32>,
        }
        %scan3A_287 = arith.constant 80 : i32
        "tpu.region"() ({
          %run_scoped3A_294 = tpu.sem_alloc : memref<!tpu.dma_semaphore, #tpu.memory_space<semaphore_mem>>
          %dma_start3A_295 = arith.constant 0 : i32
          %dma_start3A_296 = tpu.memref_slice %arg11[%add3A_127, %dma_start3A_295] : memref<25x80xi32, #tpu.memory_space<vmem>> -> memref<1x80xi32, #tpu.memory_space<vmem>>
          %dma_start3A_297 = tpu.memref_squeeze %dma_start3A_296 : memref<1x80xi32, #tpu.memory_space<vmem>> -> memref<80xi32, #tpu.memory_space<vmem>>
          %dma_start3A_298 = arith.constant 0 : i32
          %dma_start3A_299 = arith.constant 0 : i32
          %dma_start3A_300 = tpu.memref_slice %arg18[%dma_start3A_298, %dma_start3A_299] : memref<10240x128xf32, #tpu.memory_space<vmem_shared>> -> memref<10240x128xf32, #tpu.memory_space<vmem_shared>>
          tpu.enqueue_indirect_dma source(%arg15 : memref<80x128xf32, #tpu.memory_space<vmem>>) target(%dma_start3A_300 : memref<10240x128xf32, #tpu.memory_space<vmem_shared>>) offsets(%dma_start3A_297 : memref<80xi32, #tpu.memory_space<vmem>>) semaphore(%run_scoped3A_294 : memref<!tpu.dma_semaphore, #tpu.memory_space<semaphore_mem>>) {add = true}
          %dma_wait3A_301 = arith.constant 0 : i32
          %dma_wait3A_302 = tpu.memref_slice %arg11[%add3A_127, %dma_wait3A_301] : memref<25x80xi32, #tpu.memory_space<vmem>> -> memref<1x80xi32, #tpu.memory_space<vmem>>
          %dma_wait3A_303 = tpu.memref_squeeze %dma_wait3A_302 : memref<1x80xi32, #tpu.memory_space<vmem>> -> memref<80xi32, #tpu.memory_space<vmem>>
          %dma_wait3A_304 = arith.constant 0 : i32
          %dma_wait3A_305 = arith.constant 0 : i32
          %dma_wait3A_306 = tpu.memref_slice %arg18[%dma_wait3A_304, %dma_wait3A_305] : memref<10240x128xf32, #tpu.memory_space<vmem_shared>> -> memref<10240x128xf32, #tpu.memory_space<vmem_shared>>
          tpu.wait_indirect_dma semaphore(%run_scoped3A_294 : memref<!tpu.dma_semaphore, #tpu.memory_space<semaphore_mem>>) src(%arg15 : memref<80x128xf32, #tpu.memory_space<vmem>>) dst(%dma_wait3A_306 : memref<10240x128xf32, #tpu.memory_space<vmem_shared>>)
          tpu.yield
        }) : () -> ()
        %dma_wait3A_288 = arith.constant 0 : i32
        %dma_wait3A_289 = tpu.memref_slice %arg11[%mul3A_125, %dma_wait3A_288] : memref<25x80xi32, #tpu.memory_space<vmem>> -> memref<1x80xi32, #tpu.memory_space<vmem>>
        %dma_wait3A_290 = tpu.memref_squeeze %dma_wait3A_289 : memref<1x80xi32, #tpu.memory_space<vmem>> -> memref<80xi32, #tpu.memory_space<vmem>>
        %dma_wait3A_291 = arith.constant 0 : i32
        %dma_wait3A_292 = arith.constant 0 : i32
        %dma_wait3A_293 = tpu.memref_slice %arg18[%dma_wait3A_291, %dma_wait3A_292] : memref<10240x128xf32, #tpu.memory_space<vmem_shared>> -> memref<10240x128xf32, #tpu.memory_space<vmem_shared>>
        tpu.wait_indirect_dma semaphore(%arg17 : memref<!tpu.dma_semaphore, #tpu.memory_space<semaphore_mem>>) src(%arg13 : memref<80x128xf32, #tpu.memory_space<vmem>>) dst(%dma_wait3A_293 : memref<10240x128xf32, #tpu.memory_space<vmem_shared>>)
      }
      %scan3A_35 = arith.constant 12 : i32
      %dma_start3A = arith.constant 24 : i32
      %dma_start3A_36 = arith.constant 0 : i32
      %dma_start3A_37 = tpu.memref_slice %arg10[%dma_start3A, %dma_start3A_36] : memref<25x80xi32, #tpu.memory_space<vmem>> -> memref<1x80xi32, #tpu.memory_space<vmem>>
      %dma_start3A_38 = tpu.memref_squeeze %dma_start3A_37 : memref<1x80xi32, #tpu.memory_space<vmem>> -> memref<80xi32, #tpu.memory_space<vmem>>
      %dma_start3A_39 = arith.constant 0 : i32
      %dma_start3A_40 = arith.constant 0 : i32
      %dma_start3A_41 = tpu.memref_slice %arg2[%dma_start3A_39, %dma_start3A_40] : memref<10000x128xf32, #tpu.memory_space<hbm>> -> memref<10000x128xf32, #tpu.memory_space<hbm>>
      tpu.enqueue_indirect_dma source(%dma_start3A_41 : memref<10000x128xf32, #tpu.memory_space<hbm>>) target(%arg13 : memref<80x128xf32, #tpu.memory_space<vmem>>) offsets(%dma_start3A_38 : memref<80xi32, #tpu.memory_space<vmem>>) semaphore(%arg19 : memref<!tpu.dma_semaphore, #tpu.memory_space<semaphore_mem>>)
      %get3A = arith.constant 24 : i32
      %get3A_42 = arith.index_cast %get3A : i32 to index
      %get3A_43 = arith.constant 0 : index
      %get3A_44 = tpu.vector_load %arg10[%get3A_42, %get3A_43] {strides = array<i32>} : memref<25x80xi32, #tpu.memory_space<vmem>>, vector<16xi32>,
      %get3A_45 = arith.constant 24 : i32
      %get3A_46 = arith.index_cast %get3A_45 : i32 to index
      %get3A_47 = arith.constant 0 : index
      %get3A_48 = tpu.vector_load %arg11[%get3A_46, %get3A_47] {strides = array<i32>} : memref<25x80xi32, #tpu.memory_space<vmem>>, vector<16xi32>,
      %gather3A = tpu.vector_load_idx %arg8[%get3A_44] : memref<10000xf32, #tpu.memory_space<vmem>>[vector<16xi32>], vector<16xf32>,
      %gather3A_49 = tpu.vector_load_idx %arg8[%get3A_48] : memref<10000xf32, #tpu.memory_space<vmem>>[vector<16xi32>], vector<16xf32>,
      %add3A_50 = arith.addf %gather3A, %gather3A_49 : vector<16xf32>
      %exp3A = math.exp %add3A_50 : vector<16xf32>
      %swap3A = arith.constant 0 : index
      %swap3A_51 = tpu.vector_load %arg12[%swap3A] {strides = array<i32>} : memref<80xf32, #tpu.memory_space<vmem>>, vector<16xf32>,
      tpu.vector_store %arg12[%swap3A], %exp3A {strides = array<i32>} : memref<80xf32, #tpu.memory_space<vmem>>, vector<16xf32>,
      tpu.vector_store_idx %arg9[%get3A_48], %exp3A {add = true} : memref<10000xf32, #tpu.memory_space<vmem>>[vector<16xi32>], vector<16xf32>,
      %get3A_52 = arith.constant 24 : i32
      %get3A_53 = arith.index_cast %get3A_52 : i32 to index
      %get3A_54 = arith.constant 16 : index
      %get3A_55 = tpu.vector_load %arg10[%get3A_53, %get3A_54] {strides = array<i32>} : memref<25x80xi32, #tpu.memory_space<vmem>>, vector<16xi32>,
      %get3A_56 = arith.constant 24 : i32
      %get3A_57 = arith.index_cast %get3A_56 : i32 to index
      %get3A_58 = arith.constant 16 : index
      %get3A_59 = tpu.vector_load %arg11[%get3A_57, %get3A_58] {strides = array<i32>} : memref<25x80xi32, #tpu.memory_space<vmem>>, vector<16xi32>,
      %gather3A_60 = tpu.vector_load_idx %arg8[%get3A_55] : memref<10000xf32, #tpu.memory_space<vmem>>[vector<16xi32>], vector<16xf32>,
      %gather3A_61 = tpu.vector_load_idx %arg8[%get3A_59] : memref<10000xf32, #tpu.memory_space<vmem>>[vector<16xi32>], vector<16xf32>,
      %add3A_62 = arith.addf %gather3A_60, %gather3A_61 : vector<16xf32>
      %exp3A_63 = math.exp %add3A_62 : vector<16xf32>
      %swap3A_64 = arith.constant 16 : index
      %swap3A_65 = tpu.vector_load %arg12[%swap3A_64] {strides = array<i32>} : memref<80xf32, #tpu.memory_space<vmem>>, vector<16xf32>,
      tpu.vector_store %arg12[%swap3A_64], %exp3A_63 {strides = array<i32>} : memref<80xf32, #tpu.memory_space<vmem>>, vector<16xf32>,
      tpu.vector_store_idx %arg9[%get3A_59], %exp3A_63 {add = true} : memref<10000xf32, #tpu.memory_space<vmem>>[vector<16xi32>], vector<16xf32>,
      %get3A_66 = arith.constant 24 : i32
      %get3A_67 = arith.index_cast %get3A_66 : i32 to index
      %get3A_68 = arith.constant 32 : index
      %get3A_69 = tpu.vector_load %arg10[%get3A_67, %get3A_68] {strides = array<i32>} : memref<25x80xi32, #tpu.memory_space<vmem>>, vector<16xi32>,
      %get3A_70 = arith.constant 24 : i32
      %get3A_71 = arith.index_cast %get3A_70 : i32 to index
      %get3A_72 = arith.constant 32 : index
      %get3A_73 = tpu.vector_load %arg11[%get3A_71, %get3A_72] {strides = array<i32>} : memref<25x80xi32, #tpu.memory_space<vmem>>, vector<16xi32>,
      %gather3A_74 = tpu.vector_load_idx %arg8[%get3A_69] : memref<10000xf32, #tpu.memory_space<vmem>>[vector<16xi32>], vector<16xf32>,
      %gather3A_75 = tpu.vector_load_idx %arg8[%get3A_73] : memref<10000xf32, #tpu.memory_space<vmem>>[vector<16xi32>], vector<16xf32>,
      %add3A_76 = arith.addf %gather3A_74, %gather3A_75 : vector<16xf32>
      %exp3A_77 = math.exp %add3A_76 : vector<16xf32>
      %swap3A_78 = arith.constant 32 : index
      %swap3A_79 = tpu.vector_load %arg12[%swap3A_78] {strides = array<i32>} : memref<80xf32, #tpu.memory_space<vmem>>, vector<16xf32>,
      tpu.vector_store %arg12[%swap3A_78], %exp3A_77 {strides = array<i32>} : memref<80xf32, #tpu.memory_space<vmem>>, vector<16xf32>,
      tpu.vector_store_idx %arg9[%get3A_73], %exp3A_77 {add = true} : memref<10000xf32, #tpu.memory_space<vmem>>[vector<16xi32>], vector<16xf32>,
      %get3A_80 = arith.constant 24 : i32
      %get3A_81 = arith.index_cast %get3A_80 : i32 to index
      %get3A_82 = arith.constant 48 : index
      %get3A_83 = tpu.vector_load %arg10[%get3A_81, %get3A_82] {strides = array<i32>} : memref<25x80xi32, #tpu.memory_space<vmem>>, vector<16xi32>,
      %get3A_84 = arith.constant 24 : i32
      %get3A_85 = arith.index_cast %get3A_84 : i32 to index
      %get3A_86 = arith.constant 48 : index
      %get3A_87 = tpu.vector_load %arg11[%get3A_85, %get3A_86] {strides = array<i32>} : memref<25x80xi32, #tpu.memory_space<vmem>>, vector<16xi32>,
      %gather3A_88 = tpu.vector_load_idx %arg8[%get3A_83] : memref<10000xf32, #tpu.memory_space<vmem>>[vector<16xi32>], vector<16xf32>,
      %gather3A_89 = tpu.vector_load_idx %arg8[%get3A_87] : memref<10000xf32, #tpu.memory_space<vmem>>[vector<16xi32>], vector<16xf32>,
      %add3A_90 = arith.addf %gather3A_88, %gather3A_89 : vector<16xf32>
      %exp3A_91 = math.exp %add3A_90 : vector<16xf32>
      %swap3A_92 = arith.constant 48 : index
      %swap3A_93 = tpu.vector_load %arg12[%swap3A_92] {strides = array<i32>} : memref<80xf32, #tpu.memory_space<vmem>>, vector<16xf32>,
      tpu.vector_store %arg12[%swap3A_92], %exp3A_91 {strides = array<i32>} : memref<80xf32, #tpu.memory_space<vmem>>, vector<16xf32>,
      tpu.vector_store_idx %arg9[%get3A_87], %exp3A_91 {add = true} : memref<10000xf32, #tpu.memory_space<vmem>>[vector<16xi32>], vector<16xf32>,
      %get3A_94 = arith.constant 24 : i32
      %get3A_95 = arith.index_cast %get3A_94 : i32 to index
      %get3A_96 = arith.constant 64 : index
      %get3A_97 = tpu.vector_load %arg10[%get3A_95, %get3A_96] {strides = array<i32>} : memref<25x80xi32, #tpu.memory_space<vmem>>, vector<16xi32>,
      %get3A_98 = arith.constant 24 : i32
      %get3A_99 = arith.index_cast %get3A_98 : i32 to index
      %get3A_100 = arith.constant 64 : index
      %get3A_101 = tpu.vector_load %arg11[%get3A_99, %get3A_100] {strides = array<i32>} : memref<25x80xi32, #tpu.memory_space<vmem>>, vector<16xi32>,
      %gather3A_102 = tpu.vector_load_idx %arg8[%get3A_97] : memref<10000xf32, #tpu.memory_space<vmem>>[vector<16xi32>], vector<16xf32>,
      %gather3A_103 = tpu.vector_load_idx %arg8[%get3A_101] : memref<10000xf32, #tpu.memory_space<vmem>>[vector<16xi32>], vector<16xf32>,
      %add3A_104 = arith.addf %gather3A_102, %gather3A_103 : vector<16xf32>
      %exp3A_105 = math.exp %add3A_104 : vector<16xf32>
      %swap3A_106 = arith.constant 64 : index
      %swap3A_107 = tpu.vector_load %arg12[%swap3A_106] {strides = array<i32>} : memref<80xf32, #tpu.memory_space<vmem>>, vector<16xf32>,
      tpu.vector_store %arg12[%swap3A_106], %exp3A_105 {strides = array<i32>} : memref<80xf32, #tpu.memory_space<vmem>>, vector<16xf32>,
      tpu.vector_store_idx %arg9[%get3A_101], %exp3A_105 {add = true} : memref<10000xf32, #tpu.memory_space<vmem>>[vector<16xi32>], vector<16xf32>,
      %dma_wait3A = arith.constant 24 : i32
      %dma_wait3A_108 = arith.constant 0 : i32
      %dma_wait3A_109 = tpu.memref_slice %arg10[%dma_wait3A, %dma_wait3A_108] : memref<25x80xi32, #tpu.memory_space<vmem>> -> memref<1x80xi32, #tpu.memory_space<vmem>>
      %dma_wait3A_110 = tpu.memref_squeeze %dma_wait3A_109 : memref<1x80xi32, #tpu.memory_space<vmem>> -> memref<80xi32, #tpu.memory_space<vmem>>
      %dma_wait3A_111 = arith.constant 0 : i32
      %dma_wait3A_112 = arith.constant 0 : i32
      %dma_wait3A_113 = tpu.memref_slice %arg2[%dma_wait3A_111, %dma_wait3A_112] : memref<10000x128xf32, #tpu.memory_space<hbm>> -> memref<10000x128xf32, #tpu.memory_space<hbm>>
      tpu.wait_indirect_dma semaphore(%arg19 : memref<!tpu.dma_semaphore, #tpu.memory_space<semaphore_mem>>) src(%dma_wait3A_113 : memref<10000x128xf32, #tpu.memory_space<hbm>>) dst(%arg13 : memref<80x128xf32, #tpu.memory_space<vmem>>)
      %scan3A_114 = arith.constant 0 : i32
      %scan3A_115 = arith.constant 80 : i32
      %scan3A_116 = arith.addi %scan3A_114, %scan3A_115 : i32
      %scan3A_117 = arith.constant 1 : i32
      scf.for %scan3A_119 = %scan3A_114 to %scan3A_116 step %scan3A_117  : i32 {
        %mul3A_120 = arith.constant 1 : i32
        %mul3A_121 = arith.muli %scan3A_119, %mul3A_120 : i32
        %add3A_122 = arith.constant 0 : i32
        %add3A_123 = arith.addi %add3A_122, %mul3A_121 : i32
        %broadcast_in_dim3A_124 = arith.constant 0 : i32
        %broadcast_in_dim3A_125 = vector.broadcast %broadcast_in_dim3A_124 : i32 to vector<16xi32>
        %add3A_126 = vector.broadcast %add3A_123 : i32 to vector<16xi32>
        %add3A_127 = arith.addi %broadcast_in_dim3A_125, %add3A_126 : vector<16xi32>
        %gather3A_128 = tpu.vector_load_idx %arg12[%add3A_127] : memref<80xf32, #tpu.memory_space<vmem>>[vector<16xi32>], vector<16xf32>,
        %get3A_129 = arith.index_cast %add3A_123 : i32 to index
        %get3A_130 = arith.constant 0 : index
        %get3A_131 = tpu.vector_load %arg13[%get3A_129, %get3A_130] {strides = array<i32>} : memref<80x128xf32, #tpu.memory_space<vmem>>, vector<16xf32>,
        %mul3A_132 = arith.mulf %get3A_131, %gather3A_128 : vector<16xf32>
        %swap3A_133 = arith.index_cast %add3A_123 : i32 to index
        %swap3A_134 = arith.constant 0 : index
        %swap3A_135 = tpu.vector_load %arg13[%swap3A_133, %swap3A_134] {strides = array<i32>} : memref<80x128xf32, #tpu.memory_space<vmem>>, vector<16xf32>,
        tpu.vector_store %arg13[%swap3A_133, %swap3A_134], %mul3A_132 {strides = array<i32>} : memref<80x128xf32, #tpu.memory_space<vmem>>, vector<16xf32>,
        %get3A_136 = arith.index_cast %add3A_123 : i32 to index
        %get3A_137 = arith.constant 16 : index
        %get3A_138 = tpu.vector_load %arg13[%get3A_136, %get3A_137] {strides = array<i32>} : memref<80x128xf32, #tpu.memory_space<vmem>>, vector<16xf32>,
        %mul3A_139 = arith.mulf %get3A_138, %gather3A_128 : vector<16xf32>
        %swap3A_140 = arith.index_cast %add3A_123 : i32 to index
        %swap3A_141 = arith.constant 16 : index
        %swap3A_142 = tpu.vector_load %arg13[%swap3A_140, %swap3A_141] {strides = array<i32>} : memref<80x128xf32, #tpu.memory_space<vmem>>, vector<16xf32>,
        tpu.vector_store %arg13[%swap3A_140, %swap3A_141], %mul3A_139 {strides = array<i32>} : memref<80x128xf32, #tpu.memory_space<vmem>>, vector<16xf32>,
        %get3A_143 = arith.index_cast %add3A_123 : i32 to index
        %get3A_144 = arith.constant 32 : index
        %get3A_145 = tpu.vector_load %arg13[%get3A_143, %get3A_144] {strides = array<i32>} : memref<80x128xf32, #tpu.memory_space<vmem>>, vector<16xf32>,
        %mul3A_146 = arith.mulf %get3A_145, %gather3A_128 : vector<16xf32>
        %swap3A_147 = arith.index_cast %add3A_123 : i32 to index
        %swap3A_148 = arith.constant 32 : index
        %swap3A_149 = tpu.vector_load %arg13[%swap3A_147, %swap3A_148] {strides = array<i32>} : memref<80x128xf32, #tpu.memory_space<vmem>>, vector<16xf32>,
        tpu.vector_store %arg13[%swap3A_147, %swap3A_148], %mul3A_146 {strides = array<i32>} : memref<80x128xf32, #tpu.memory_space<vmem>>, vector<16xf32>,
        %get3A_150 = arith.index_cast %add3A_123 : i32 to index
        %get3A_151 = arith.constant 48 : index
        %get3A_152 = tpu.vector_load %arg13[%get3A_150, %get3A_151] {strides = array<i32>} : memref<80x128xf32, #tpu.memory_space<vmem>>, vector<16xf32>,
        %mul3A_153 = arith.mulf %get3A_152, %gather3A_128 : vector<16xf32>
        %swap3A_154 = arith.index_cast %add3A_123 : i32 to index
        %swap3A_155 = arith.constant 48 : index
        %swap3A_156 = tpu.vector_load %arg13[%swap3A_154, %swap3A_155] {strides = array<i32>} : memref<80x128xf32, #tpu.memory_space<vmem>>, vector<16xf32>,
        tpu.vector_store %arg13[%swap3A_154, %swap3A_155], %mul3A_153 {strides = array<i32>} : memref<80x128xf32, #tpu.memory_space<vmem>>, vector<16xf32>,
        %get3A_157 = arith.index_cast %add3A_123 : i32 to index
        %get3A_158 = arith.constant 64 : index
        %get3A_159 = tpu.vector_load %arg13[%get3A_157, %get3A_158] {strides = array<i32>} : memref<80x128xf32, #tpu.memory_space<vmem>>, vector<16xf32>,
        %mul3A_160 = arith.mulf %get3A_159, %gather3A_128 : vector<16xf32>
        %swap3A_161 = arith.index_cast %add3A_123 : i32 to index
        %swap3A_162 = arith.constant 64 : index
        %swap3A_163 = tpu.vector_load %arg13[%swap3A_161, %swap3A_162] {strides = array<i32>} : memref<80x128xf32, #tpu.memory_space<vmem>>, vector<16xf32>,
        tpu.vector_store %arg13[%swap3A_161, %swap3A_162], %mul3A_160 {strides = array<i32>} : memref<80x128xf32, #tpu.memory_space<vmem>>, vector<16xf32>,
        %get3A_164 = arith.index_cast %add3A_123 : i32 to index
        %get3A_165 = arith.constant 80 : index
        %get3A_166 = tpu.vector_load %arg13[%get3A_164, %get3A_165] {strides = array<i32>} : memref<80x128xf32, #tpu.memory_space<vmem>>, vector<16xf32>,
        %mul3A_167 = arith.mulf %get3A_166, %gather3A_128 : vector<16xf32>
        %swap3A_168 = arith.index_cast %add3A_123 : i32 to index
        %swap3A_169 = arith.constant 80 : index
        %swap3A_170 = tpu.vector_load %arg13[%swap3A_168, %swap3A_169] {strides = array<i32>} : memref<80x128xf32, #tpu.memory_space<vmem>>, vector<16xf32>,
        tpu.vector_store %arg13[%swap3A_168, %swap3A_169], %mul3A_167 {strides = array<i32>} : memref<80x128xf32, #tpu.memory_space<vmem>>, vector<16xf32>,
        %get3A_171 = arith.index_cast %add3A_123 : i32 to index
        %get3A_172 = arith.constant 96 : index
        %get3A_173 = tpu.vector_load %arg13[%get3A_171, %get3A_172] {strides = array<i32>} : memref<80x128xf32, #tpu.memory_space<vmem>>, vector<16xf32>,
        %mul3A_174 = arith.mulf %get3A_173, %gather3A_128 : vector<16xf32>
        %swap3A_175 = arith.index_cast %add3A_123 : i32 to index
        %swap3A_176 = arith.constant 96 : index
        %swap3A_177 = tpu.vector_load %arg13[%swap3A_175, %swap3A_176] {strides = array<i32>} : memref<80x128xf32, #tpu.memory_space<vmem>>, vector<16xf32>,
        tpu.vector_store %arg13[%swap3A_175, %swap3A_176], %mul3A_174 {strides = array<i32>} : memref<80x128xf32, #tpu.memory_space<vmem>>, vector<16xf32>,
        %get3A_178 = arith.index_cast %add3A_123 : i32 to index
        %get3A_179 = arith.constant 112 : index
        %get3A_180 = tpu.vector_load %arg13[%get3A_178, %get3A_179] {strides = array<i32>} : memref<80x128xf32, #tpu.memory_space<vmem>>, vector<16xf32>,
        %mul3A_181 = arith.mulf %get3A_180, %gather3A_128 : vector<16xf32>
        %swap3A_182 = arith.index_cast %add3A_123 : i32 to index
        %swap3A_183 = arith.constant 112 : index
        %swap3A_184 = tpu.vector_load %arg13[%swap3A_182, %swap3A_183] {strides = array<i32>} : memref<80x128xf32, #tpu.memory_space<vmem>>, vector<16xf32>,
        tpu.vector_store %arg13[%swap3A_182, %swap3A_183], %mul3A_181 {strides = array<i32>} : memref<80x128xf32, #tpu.memory_space<vmem>>, vector<16xf32>,
      }
      %scan3A_118 = arith.constant 80 : i32
      %run_scoped3A = arith.constant 24 : i32
      "tpu.region"() ({
        %run_scoped3A_119 = tpu.sem_alloc : memref<!tpu.dma_semaphore, #tpu.memory_space<semaphore_mem>>
        %dma_start3A_120 = arith.constant 0 : i32
        %dma_start3A_121 = tpu.memref_slice %arg11[%run_scoped3A, %dma_start3A_120] : memref<25x80xi32, #tpu.memory_space<vmem>> -> memref<1x80xi32, #tpu.memory_space<vmem>>
        %dma_start3A_122 = tpu.memref_squeeze %dma_start3A_121 : memref<1x80xi32, #tpu.memory_space<vmem>> -> memref<80xi32, #tpu.memory_space<vmem>>
        %dma_start3A_123 = arith.constant 0 : i32
        %dma_start3A_124 = arith.constant 0 : i32
        %dma_start3A_125 = tpu.memref_slice %arg18[%dma_start3A_123, %dma_start3A_124] : memref<10240x128xf32, #tpu.memory_space<vmem_shared>> -> memref<10240x128xf32, #tpu.memory_space<vmem_shared>>
        tpu.enqueue_indirect_dma source(%arg13 : memref<80x128xf32, #tpu.memory_space<vmem>>) target(%dma_start3A_125 : memref<10240x128xf32, #tpu.memory_space<vmem_shared>>) offsets(%dma_start3A_122 : memref<80xi32, #tpu.memory_space<vmem>>) semaphore(%run_scoped3A_119 : memref<!tpu.dma_semaphore, #tpu.memory_space<semaphore_mem>>) {add = true}
        %dma_wait3A_126 = arith.constant 0 : i32
        %dma_wait3A_127 = tpu.memref_slice %arg11[%run_scoped3A, %dma_wait3A_126] : memref<25x80xi32, #tpu.memory_space<vmem>> -> memref<1x80xi32, #tpu.memory_space<vmem>>
        %dma_wait3A_128 = tpu.memref_squeeze %dma_wait3A_127 : memref<1x80xi32, #tpu.memory_space<vmem>> -> memref<80xi32, #tpu.memory_space<vmem>>
        %dma_wait3A_129 = arith.constant 0 : i32
        %dma_wait3A_130 = arith.constant 0 : i32
        %dma_wait3A_131 = tpu.memref_slice %arg18[%dma_wait3A_129, %dma_wait3A_130] : memref<10240x128xf32, #tpu.memory_space<vmem_shared>> -> memref<10240x128xf32, #tpu.memory_space<vmem_shared>>
        tpu.wait_indirect_dma semaphore(%run_scoped3A_119 : memref<!tpu.dma_semaphore, #tpu.memory_space<semaphore_mem>>) src(%arg13 : memref<80x128xf32, #tpu.memory_space<vmem>>) dst(%dma_wait3A_131 : memref<10240x128xf32, #tpu.memory_space<vmem_shared>>)
        tpu.yield
      }) : () -> ()
    }
    %scan3A_20 = arith.constant 5 : i32
    %barrier3A_21 = arith.constant 0 : index
    tpu.barrier barrier_id(%barrier3A_21)
    %mul3A_22 = arith.constant 640 : i32
    %mul3A_23 = arith.muli %arg1, %mul3A_22 : i32
    %mul3A_24 = arith.constant 640 : i32
    %mul3A_25 = arith.muli %arg1, %mul3A_24 : i32
    "tpu.region"() ({
      %run_scoped3A = tpu.sem_alloc : memref<!tpu.dma_semaphore, #tpu.memory_space<semaphore_mem>>
      %dma_start3A = arith.constant 0 : i32
      %dma_start3A_26 = tpu.memref_slice %arg6[%arg0, %mul3A_25, %dma_start3A] : memref<2x10240x128xf32, #tpu.memory_space<hbm>> -> memref<1x640x128xf32, #tpu.memory_space<hbm>>
      %dma_start3A_27 = tpu.memref_squeeze %dma_start3A_26 : memref<1x640x128xf32, #tpu.memory_space<hbm>> -> memref<640x128xf32, #tpu.memory_space<hbm>>
      %dma_start3A_28 = arith.constant 0 : i32
      %dma_start3A_29 = tpu.memref_slice %arg18[%mul3A_23, %dma_start3A_28] : memref<10240x128xf32, #tpu.memory_space<vmem_shared>> -> memref<640x128xf32, #tpu.memory_space<vmem_shared>>
      tpu.enqueue_dma source(%dma_start3A_29 : memref<640x128xf32, #tpu.memory_space<vmem_shared>>) target(%dma_start3A_27 : memref<640x128xf32, #tpu.memory_space<hbm>>) target_semaphore(%run_scoped3A : memref<!tpu.dma_semaphore, #tpu.memory_space<semaphore_mem>>)
      %dma_wait3A = arith.constant 0 : i32
      %dma_wait3A_30 = tpu.memref_slice %arg6[%arg0, %mul3A_25, %dma_wait3A] : memref<2x10240x128xf32, #tpu.memory_space<hbm>> -> memref<1x640x128xf32, #tpu.memory_space<hbm>>
      %dma_wait3A_31 = tpu.memref_squeeze %dma_wait3A_30 : memref<1x640x128xf32, #tpu.memory_space<hbm>> -> memref<640x128xf32, #tpu.memory_space<hbm>>
      %dma_wait3A_32 = arith.constant 0 : i32
      %dma_wait3A_33 = tpu.memref_slice %arg18[%mul3A_23, %dma_wait3A_32] : memref<10240x128xf32, #tpu.memory_space<vmem_shared>> -> memref<640x128xf32, #tpu.memory_space<vmem_shared>>
      tpu.wait_dma2 semaphore(%run_scoped3A : memref<!tpu.dma_semaphore, #tpu.memory_space<semaphore_mem>>) src(%dma_wait3A_33 : memref<640x128xf32, #tpu.memory_space<vmem_shared>>) dst(%dma_wait3A_31 : memref<640x128xf32, #tpu.memory_space<hbm>>)
      tpu.yield
    }) : () -> ()
    "tpu.region"() ({
      %run_scoped3A = tpu.sem_alloc : memref<!tpu.dma_semaphore, #tpu.memory_space<semaphore_mem>>
      %dma_start3A = arith.constant 0 : i32
      %dma_start3A_26 = tpu.memref_slice %arg7[%arg0, %arg1, %dma_start3A] : memref<2x16x10000xf32, #tpu.memory_space<hbm>> -> memref<1x1x10000xf32, #tpu.memory_space<hbm>>
      %dma_start3A_27 = tpu.memref_squeeze %dma_start3A_26 : memref<1x1x10000xf32, #tpu.memory_space<hbm>> -> memref<10000xf32, #tpu.memory_space<hbm>>
      %dma_start3A_28 = arith.constant 0 : i32
      %dma_start3A_29 = tpu.memref_slice %arg7[%arg0, %arg1, %dma_start3A_28] : memref<2x16x10000xf32, #tpu.memory_space<hbm>> -> memref<1x1x10000xf32, #tpu.memory_space<hbm>>
      %dma_start3A_30 = tpu.memref_squeeze %dma_start3A_29 : memref<1x1x10000xf32, #tpu.memory_space<hbm>> -> memref<10000xf32, #tpu.memory_space<hbm>>
      tpu.enqueue_dma source(%arg9 : memref<10000xf32, #tpu.memory_space<vmem>>) target(%dma_start3A_30 : memref<10000xf32, #tpu.memory_space<hbm>>) target_semaphore(%run_scoped3A : memref<!tpu.dma_semaphore, #tpu.memory_space<semaphore_mem>>)
      %dma_wait3A = arith.constant 0 : i32
      %dma_wait3A_31 = tpu.memref_slice %arg7[%arg0, %arg1, %dma_wait3A] : memref<2x16x10000xf32, #tpu.memory_space<hbm>> -> memref<1x1x10000xf32, #tpu.memory_space<hbm>>
      %dma_wait3A_32 = tpu.memref_squeeze %dma_wait3A_31 : memref<1x1x10000xf32, #tpu.memory_space<hbm>> -> memref<10000xf32, #tpu.memory_space<hbm>>
      %dma_wait3A_33 = arith.constant 0 : i32
      %dma_wait3A_34 = tpu.memref_slice %arg7[%arg0, %arg1, %dma_wait3A_33] : memref<2x16x10000xf32, #tpu.memory_space<hbm>> -> memref<1x1x10000xf32, #tpu.memory_space<hbm>>
      %dma_wait3A_35 = tpu.memref_squeeze %dma_wait3A_34 : memref<1x1x10000xf32, #tpu.memory_space<hbm>> -> memref<10000xf32, #tpu.memory_space<hbm>>
      tpu.wait_dma2 semaphore(%run_scoped3A : memref<!tpu.dma_semaphore, #tpu.memory_space<semaphore_mem>>) src(%arg9 : memref<10000xf32, #tpu.memory_space<vmem>>) dst(%dma_wait3A_35 : memref<10000xf32, #tpu.memory_space<hbm>>)
      tpu.yield
    }) : () -> ()
    return
  }
}

module attributes {stable_mosaic.version = 14 : i64} {
  func.func @_prep_body(%arg0: memref<10000x128xf32, #tpu.memory_space<vmem>>, %arg1: memref<128x128xf32, #tpu.memory_space<vmem>>, %arg2: memref<128x1xf32, #tpu.memory_space<vmem>>, %arg3: memref<128x1xf32, #tpu.memory_space<vmem>>, %arg4: memref<10000x128xf32, #tpu.memory_space<vmem>>, %arg5: memref<10240x1xf32, #tpu.memory_space<vmem>>) attributes {dimension_semantics = [], scalar_prefetch = 0 : i64, scratch_operands = 0 : i64, tpu.core_type = #tpu.core_type<tc>} {
    %get3A = arith.constant 0 : index
    %get3A_0 = arith.constant 0 : index
    %get3A_1 = vector.load %arg0[%get3A, %get3A_0] : memref<10000x128xf32, #tpu.memory_space<vmem>>, vector<10000x128xf32>
    %get3A_2 = arith.constant 0 : index
    %get3A_3 = arith.constant 0 : index
    %get3A_4 = vector.load %arg1[%get3A_2, %get3A_3] : memref<128x128xf32, #tpu.memory_space<vmem>>, vector<128x128xf32>
    %dot_general3A = arith.constant dense<0.000000e+00> : vector<10000x128xf32>
    %dot_general3A_5 = tpu.matmul %get3A_1, %get3A_4, %dot_general3A {dimension_numbers = #tpu.dot_dimension_numbers<[1], [0], [0], [1], [0, 0, 1, 1], [], []>, transpose_lhs_hint = false} : vector<10000x128xf32>, vector<128x128xf32>, vector<10000x128xf32> -> vector<10000x128xf32>
    %swap3A = arith.constant 0 : index
    %swap3A_6 = arith.constant 0 : index
    %swap3A_7 = vector.load %arg4[%swap3A, %swap3A_6] : memref<10000x128xf32, #tpu.memory_space<vmem>>, vector<10000x128xf32>
    tpu.vector_store %arg4[%swap3A, %swap3A_6], %dot_general3A_5 {strides = array<i32>} : memref<10000x128xf32, #tpu.memory_space<vmem>>, vector<10000x128xf32>,
    %get3A_8 = arith.constant 0 : index
    %get3A_9 = arith.constant 0 : index
    %get3A_10 = vector.load %arg2[%get3A_8, %get3A_9] : memref<128x1xf32, #tpu.memory_space<vmem>>, vector<128x1xf32>
    %get3A_11 = arith.constant 0 : index
    %get3A_12 = arith.constant 0 : index
    %get3A_13 = vector.load %arg3[%get3A_11, %get3A_12] : memref<128x1xf32, #tpu.memory_space<vmem>>, vector<128x1xf32>
    %add3A = arith.addf %get3A_10, %get3A_13 : vector<128x1xf32>
    %dot_general3A_14 = arith.constant dense<0.000000e+00> : vector<10000x1xf32>
    %dot_general3A_15 = tpu.matmul %dot_general3A_5, %add3A, %dot_general3A_14 {dimension_numbers = #tpu.dot_dimension_numbers<[1], [0], [0], [1], [0, 0, 1, 1], [], []>, transpose_lhs_hint = false} : vector<10000x128xf32>, vector<128x1xf32>, vector<10000x1xf32> -> vector<10000x1xf32>
    %swap3A_16 = arith.constant 0 : index
    %swap3A_17 = arith.constant 0 : index
    %swap3A_18 = vector.load %arg5[%swap3A_16, %swap3A_17] : memref<10240x1xf32, #tpu.memory_space<vmem>>, vector<10000x1xf32>
    tpu.vector_store %arg5[%swap3A_16, %swap3A_17], %dot_general3A_15 {strides = array<i32>} : memref<10240x1xf32, #tpu.memory_space<vmem>>, vector<10000x1xf32>,
    %broadcast_in_dim3A = arith.constant 0.000000e+00 : f32
    %broadcast_in_dim3A_19 = vector.broadcast %broadcast_in_dim3A : f32 to vector<240x1xf32>
    %swap3A_20 = arith.constant 10000 : index
    %swap3A_21 = arith.constant 0 : index
    %swap3A_22 = vector.load %arg5[%swap3A_20, %swap3A_21] : memref<10240x1xf32, #tpu.memory_space<vmem>>, vector<240x1xf32>
    tpu.vector_store %arg5[%swap3A_20, %swap3A_21], %broadcast_in_dim3A_19 {strides = array<i32>} : memref<10240x1xf32, #tpu.memory_space<vmem>>, vector<240x1xf32>,
    return
  }
}

module attributes {stable_mosaic.version = 14 : i64} {
  func.func @_finish_body(%arg0: i32, %arg1: memref<2x2000x128xf32, #tpu.memory_space<vmem>>, %arg2: memref<2x2000x16xf32, #tpu.memory_space<vmem>>, %arg3: memref<2000x128xf32, #tpu.memory_space<vmem>>) attributes {dimension_semantics = [#tpu.dimension_semantics<arbitrary>], iteration_bounds = array<i64: 5>, scalar_prefetch = 0 : i64, scratch_operands = 0 : i64, tpu.core_type = #tpu.core_type<tc>, window_params = [{transform_indices = @transform_0, window_bounds = array<i64: 2, 2000, 128>}, {transform_indices = @transform_1, window_bounds = array<i64: 2, 2000, 16>}, {transform_indices = @transform_2, window_bounds = array<i64: 2000, 128>}]} {
    %get3A = arith.constant 0 : index
    %get3A_0 = arith.constant 0 : index
    %get3A_1 = arith.constant 0 : index
    %get3A_2 = vector.load %arg1[%get3A, %get3A_0, %get3A_1] : memref<2x2000x128xf32, #tpu.memory_space<vmem>>, vector<1x2000x128xf32>
    %get3A_3 = vector.shape_cast %get3A_2 : vector<1x2000x128xf32> to vector<2000x128xf32>
    %get3A_4 = arith.constant 1 : index
    %get3A_5 = arith.constant 0 : index
    %get3A_6 = arith.constant 0 : index
    %get3A_7 = vector.load %arg1[%get3A_4, %get3A_5, %get3A_6] : memref<2x2000x128xf32, #tpu.memory_space<vmem>>, vector<1x2000x128xf32>
    %get3A_8 = vector.shape_cast %get3A_7 : vector<1x2000x128xf32> to vector<2000x128xf32>
    %add3A = arith.addf %get3A_3, %get3A_8 : vector<2000x128xf32>
    %get3A_9 = arith.constant 0 : index
    %get3A_10 = arith.constant 0 : index
    %get3A_11 = arith.constant 0 : index
    %get3A_12 = vector.load %arg2[%get3A_9, %get3A_10, %get3A_11] : memref<2x2000x16xf32, #tpu.memory_space<vmem>>, vector<2x2000x16xf32>
    %reduce_sum3A = arith.constant dense<0.000000e+00> : vector<2000xf32>
    %reduce_sum3A_13 = vector.multi_reduction <add>, %get3A_12, %reduce_sum3A [0, 2] : vector<2x2000x16xf32> to vector<2000xf32>
    %add3A_14 = arith.constant 1.000000e-16 : f32
    %add3A_15 = vector.broadcast %add3A_14 : f32 to vector<2000xf32>
    %add3A_16 = arith.addf %reduce_sum3A_13, %add3A_15 : vector<2000xf32>
    %broadcast_in_dim3A = vector.shape_cast %add3A_16 : vector<2000xf32> to vector<2000x1xf32>
    %div3A = vector.broadcast %broadcast_in_dim3A : vector<2000x1xf32> to vector<2000x128xf32>
    %div3A_17 = arith.divf %add3A, %div3A : vector<2000x128xf32>
    %gt3A = arith.constant 0.000000e+00 : f32
    %gt3A_18 = vector.broadcast %gt3A : f32 to vector<2000x128xf32>
    %gt3A_19 = arith.cmpf ogt, %div3A_17, %gt3A_18 : vector<2000x128xf32>
    %min3A = arith.constant 0.000000e+00 : f32
    %min3A_20 = vector.broadcast %min3A : f32 to vector<2000x128xf32>
    %min3A_21 = arith.minimumf %div3A_17, %min3A_20 : vector<2000x128xf32>
    %exp3A = math.exp %min3A_21 : vector<2000x128xf32>
    %sub3A = arith.constant 1.000000e+00 : f32
    %sub3A_22 = vector.broadcast %sub3A : f32 to vector<2000x128xf32>
    %sub3A_23 = arith.subf %exp3A, %sub3A_22 : vector<2000x128xf32>
    %select_n3A = arith.select %gt3A_19, %div3A_17, %sub3A_23 : vector<2000x128xi1>, vector<2000x128xf32>
    %swap3A = arith.constant 0 : index
    %swap3A_24 = arith.constant 0 : index
    %swap3A_25 = vector.load %arg3[%swap3A, %swap3A_24] : memref<2000x128xf32, #tpu.memory_space<vmem>>, vector<2000x128xf32>
    tpu.vector_store %arg3[%swap3A, %swap3A_24], %select_n3A {strides = array<i32>} : memref<2000x128xf32, #tpu.memory_space<vmem>>, vector<2000x128xf32>,
    return
  }
  func.func @transform_0(%arg0: i32) -> (i32, i32, i32) {
    %c0_i32 = arith.constant 0 : i32
    %c0_i32_0 = arith.constant 0 : i32
    %c0_i32_1 = arith.constant 0 : i32
    return %c0_i32, %arg0, %c0_i32_0 : i32, i32, i32
  }
  func.func @transform_1(%arg0: i32) -> (i32, i32, i32) {
    %c0_i32 = arith.constant 0 : i32
    %c0_i32_0 = arith.constant 0 : i32
    %c0_i32_1 = arith.constant 0 : i32
    return %c0_i32, %arg0, %c0_i32_0 : i32, i32, i32
  }
  func.func @transform_2(%arg0: i32) -> (i32, i32) {
    %c0_i32 = arith.constant 0 : i32
    %c0_i32_0 = arith.constant 0 : i32
    return %arg0, %c0_i32 : i32, i32
  }
}

</mosaic_0001>

<sc_bundles>
// kernel: kernel.5.cloned.1.call-start
scs
__scs_entry_jumppad:
0x0: {  	(pc) =	sbr.rel $0x88, $3  }
0x1: {  	(tag) =	ssettag $0x0;
	lr =	simm.s32 $0x1  }
0x2: {  	[smem:$0x3F9C] =	sst lr;
	_ =	strace $0xD0000000  }
0x3: {  	_ = 	snop  }
0x4: {  	_ = 	snop  }
0x5: {  	_ = 	snop  }
0x6: {  	_ = 	snop  }
0x7: {  	_ = 	snop  }
__scs_overlays_trampoline_lowered:
0x8: {  	[smem:$0x3FAB] =	sst s0  }
0x9: {  	[smem:$0x3FAC] =	sst s1  }
0xa: {  	[smem:$0x3FAD] =	sst s2  }
0xb: {  	[smem:$0x3FAE] =	sst s3  }
0xc: {  	[smem:$0x3FAF] =	sst s4  }
0xd: {  	[smem:$0x3FB0] =	sst s5  }
0xe: {  	[smem:$0x3FB1] =	sst s6  }
0xf: {  	[smem:$0x3FB2] =	sst s7  }
0x10: {  	[smem:$0x3FB3] =	sst s8  }
0x11: {  	[smem:$0x3FB4] =	sst s9;
	s0 =	simm.s32 @!p0 $0x0  }
0x12: {  	s1 =	sld [smem:$0x3F9A];
	s0 =	simm.s32 @p0 $0x1  }
0x13: {  	[smem:$0x3FB5] =	sst s0;
	s0 =	simm.s32 @!p1 $0x0  }
0x14: {  	s2 =	sld [smem:$0x3F99];
	s0 =	simm.s32 @p1 $0x1  }
0x15: {  	[smem:$0x3FB6] =	sst s0;
	s0 =	simm.s32 @!p2 $0x0  }
0x16: {  	s3 =	sld [smem:$0x3FDB];
	s0 =	simm.s32 @p2 $0x1  }
0x17: {  	s4 =	simm.s32 $0x1BF5;
	[smem:$0x3FB8] =	sst s0  }
0x18: {  	s0 =	sld [smem:$0x3F9B];
	_ =	swait.ge [sflag:s4], $0x0  }
0x19: {  	s7 =	sld [smem:$0x3F9C]  }
0x1a: {  	s8 =	sadd.s32 $0xFFFFE003, lr  }
0x1b: {  	s9 =	sadd.s32 $0xFFFFFEF7, lr;
	s5 =	simm.s32 $0xFFFFFFFF;
	p2 =	slt.u32 s8, $0xFFFFF086  }
0x1c: {  	p1 =	slt.u32 s9, $0xF7A;
	s5 =	simm.s32 @!p2 $0x0  }
0x1d: {  	s5 =	simm.s32 @p1 $0x1;
	p0 =	seq.s32 s7, s2  }
0x1e: {  	s7 =	smul.u32 @!p0 $0xF7A, s2;
	p2 =	seq.s32 @!p0 s5, $0x0  }
0x1f: {  	s9 =	smul.u32 $0xF7A, s1;
	s8 =	simm.s32 @!p0 $0x1BF5;
	p2 =	por !p2, p0  }
0x20: {  	[sflag:s8] =	ssyncset.s32 @!p0 $0xFFFFF086;
	s6 =	sadd.s32 @!p0 s3, s7;
	s7 =	simm.s32 @!p0 $0x108  }
0x21: {  	s3 =	sadd.s32 s3, s9;
	s6 =	sadd.s32 @!p0 $0x88, s6;
	s7 =	simm.s32 @p2 $0x1082  }
0x22: {  	[simem:s7], [sflag:s8] =	dma.local @!p0 [hbm:s6], $0xF7A  }
0x23: {  	s9 =	sor.u32 $0xD0000000, s2;
	s6 =	simm.s32 $0x108;
	_ =	swait.ge @!p0 [sflag:s8], $0x0  }
0x24: {  	s3 =	sadd.s32 $0x88, s3;
	s6 =	simm.s32 @!p1 $0x1082;
	[sflag:s4] =	ssyncset.s32 $0xFFFFF086  }
0x25: {  	[simem:s6], [sflag:s4] =	dma.local [hbm:s3], $0xF7A  }
0x26: {  	[smem:$0x3F9C] =	sst s1;
	(tag) =	ssettag s2;
	_ =	strace s9  }
0x27: {  	s1 =	sld [smem:$0x3FAC]  }
0x28: {  	s2 =	sld [smem:$0x3FAD]  }
0x29: {  	s4 =	sld [smem:$0x3FAF]  }
0x2a: {  	p0 =	seq.s32 s5, $0x0;
	s5 =	sld [smem:$0x3FB0]  }
0x2b: {  	s6 =	sld [smem:$0x3FB1]  }
0x2c: {  	s7 =	sld [smem:$0x3FB2]  }
0x2d: {  	s3 =	simm.s32 $0x108;
	s8 =	sld [smem:$0x3FB3]  }
0x2e: {  	s3 =	simm.s32 @!p0 $0x1082;
	s9 =	sld [smem:$0x3FB4]  }
0x2f: {  	lr =	sadd.s32 s0, s3;
	s0 =	sld [smem:$0x3FAB]  }
0x30: {  	s3 =	sld [smem:$0x3FAE]  }
0x31: {  	[smem:$0x3FB7] =	sst s10  }
0x32: {  	s10 =	sld [smem:$0x3FB5];
	_ =	sdelay $0x3  }
0x33: {  	p0 =	seq.s32 s10, $0x1;
	s10 =	sld [smem:$0x3FB7];
	_ =	sdelay $0x3  }
0x34: {  	[smem:$0x3FB7] =	sst s10  }
0x35: {  	s10 =	sld [smem:$0x3FB6];
	_ =	sdelay $0x3  }
0x36: {  	p1 =	seq.s32 s10, $0x1;
	s10 =	sld [smem:$0x3FB7];
	_ =	sdelay $0x3  }
0x37: {  	[smem:$0x3FB7] =	sst s10  }
0x38: {  	s10 =	sld [smem:$0x3FB8]  }
0x39: {  	_ = 	snop;
	(pc) =	sbr.ind lr, $3  }
0x3a: {  	_ = 	snop  }
0x3b: {  	_ = 	snop  }
0x3c: {  	p2 =	seq.s32 s10, $0x1;
	s10 =	sld [smem:$0x3FB7]  }
0x3d: {  	_ =	shalt  }
0x3e: {  	_ =	shalt  }
0x3f: {  	_ =	shalt  }
0x40: {  	_ =	shalt  }
0x41: {  	_ =	shalt  }
0x42: {  	_ =	shalt  }
0x43: {  	_ =	shalt  }
0x44: {  	_ =	shalt  }
0x45: {  	_ =	shalt  }
0x46: {  	_ =	shalt  }
0x47: {  	_ =	shalt  }
0x48: {  	_ =	shalt  }
0x49: {  	_ =	shalt  }
0x4a: {  	_ =	shalt  }
0x4b: {  	_ =	shalt  }
0x4c: {  	_ =	shalt  }
0x4d: {  	_ =	shalt  }
0x4e: {  	_ =	shalt  }
0x4f: {  	_ =	shalt  }
0x50: {  	_ =	shalt  }
0x51: {  	_ =	shalt  }
0x52: {  	_ =	shalt  }
0x53: {  	_ =	shalt  }
0x54: {  	_ =	shalt  }
0x55: {  	_ =	shalt  }
0x56: {  	_ =	shalt  }
0x57: {  	_ =	shalt  }
0x58: {  	_ =	shalt  }
0x59: {  	_ =	shalt  }
0x5a: {  	_ =	shalt  }
0x5b: {  	_ =	shalt  }
0x5c: {  	_ =	shalt  }
0x5d: {  	_ =	shalt  }
0x5e: {  	_ =	shalt  }
0x5f: {  	_ =	shalt  }
0x60: {  	_ =	shalt  }
0x61: {  	_ =	shalt  }
0x62: {  	_ =	shalt  }
0x63: {  	_ =	shalt  }
0x64: {  	_ =	shalt  }
0x65: {  	_ =	shalt  }
0x66: {  	_ =	shalt  }
0x67: {  	_ =	shalt  }
0x68: {  	_ =	shalt  }
0x69: {  	_ =	shalt  }
0x6a: {  	_ =	shalt  }
0x6b: {  	_ =	shalt  }
0x6c: {  	_ =	shalt  }
0x6d: {  	_ =	shalt  }
0x6e: {  	_ =	shalt  }
0x6f: {  	_ =	shalt  }
0x70: {  	_ =	shalt  }
0x71: {  	_ =	shalt  }
0x72: {  	_ =	shalt  }
0x73: {  	_ =	shalt  }
0x74: {  	_ =	shalt  }
0x75: {  	_ =	shalt  }
0x76: {  	_ =	shalt  }
0x77: {  	_ =	shalt  }
0x78: {  	_ =	shalt  }
0x79: {  	_ =	shalt  }
0x7a: {  	_ =	shalt  }
0x7b: {  	_ =	shalt  }
0x7c: {  	_ =	shalt  }
0x7d: {  	_ =	shalt  }
0x7e: {  	_ =	shalt  }
0x7f: {  	_ =	shalt  }
0x80: {  	_ =	shalt  }
0x81: {  	_ =	shalt  }
0x82: {  	_ =	shalt  }
0x83: {  	_ =	shalt  }
0x84: {  	_ =	shalt  }
0x85: {  	_ =	shalt  }
0x86: {  	_ =	shalt  }
0x87: {  	_ =	shalt  }
.Lfunc_end0:
.L_simem_size_0:
called_computation_lowered:
.L_overlay_start_0:
0x88: {  	s2 =	sld [smem:$0x3FD9]  }
0x89: {  	s3 =	sld [smem:$0x3FFE];
	_ =	sdelay $0x1  }
0x8a: {  	s1 =	srdreg.scid  }
0x8b: {  	s0 =	sand.u32 $0x1, s1  }
0x8c: {  	s17 =	sshll.u32 s0, $0xA;
	s2 =	sadd.s32 s3, s2  }
0x8d: {  	s2 =	sadd.s32 s2, s17  }
0x8e: {  	[smem:$0x3FC3] =	sst s2  }
0x8f: {  	_ = 	snop  }
0x90: {  	s2 =	sld [smem:$0x3FD0];
	(tm) =	ssettm $0x1  }
0x91: {  	s18 =	sld [smem:$0x3FFB];
	_ =	sdelay $0x3  }
0x92: {  	_ =	strace s18  }
0x93: {  	s3 =	sld [smem:$0x3FFC];
	_ =	sdelay $0x3  }
0x94: {  	_ =	strace s3  }
0x95: {  	s3 =	sld [smem:$0x3FFD];
	_ =	sdelay $0x3  }
0x96: {  	_ =	strace s3  }
0x97: {  	_ =	strace $0x8FFFFFFF  }
0x98: {  	s19 =	sld [smem:$0x3FDB];
	_ =	sdelay $0x1  }
0x99: {  	s4 =	simm.s32 $_scs_section_size  }
0x9a: {  	s5 =	simm.s32 $_size__tile_overlayer_lowered;
	s6 =	simm.s32 $_tile_overlayer_lowered  }
0x9b: {  	s22 =	simm.s32 $0x1BFF;
	s21 =	sshll.u32 s6, $0x1;
	s3 =	sadd.s32 s4, s19  }
0x9c: {  	s7 =	simm.s32 $0x0;
	s20 =	sshll.u32 s5, $0x1;
	s5 =	sadd.s32 s21, s3  }
0x9d: {  	[timem:s7], [sflag:s22] =	dma.local [hbm:s5], s20  }
0x9e: {  	_ =	swait.ge [sflag:s22], s20  }
0x9f: {  	s4 =	ssub.s32 $0x0, s20;
	[sflag:s22] =	ssyncset.done $0x0  }
0xa0: {  	[sflag:s22] =	ssyncadd.s32 s4;
	_ =	sdelay $0x1  }
0xa1: {  	s23 =	simm.s32 $0x1B8B  }
0xa2: {  	_ =	swait.ge [sflag:s23], $0x1  }
0xa3: {  	[sflag:s23] =	ssyncset.done $0x0  }
0xa4: {  	s25 =	simm.s32 $0x1B8E;
	s24 =	sld [smem:$0x3FFE];
	[sflag:s23] =	ssyncadd.s32 $0xFFFFFFFF  }
0xa5: {  	s26 =	simm.s32 $execute0_lowered;
	[smem:$0x3FD2] =	sst s25  }
0xa6: {  	s5 =	sshll.u32 s26, $0x1;
	_ =	strace $0x80000046;
	[dreg:$0x1] =	wrdreg $0xFFFFFFFF  }
0xa7: {  	s28 =	simm.s32 $_size_execute0_lowered;
	s3 =	sadd.s32 s3, s5;
	[dreg:$0x0] =	wrdreg $0x0  }
0xa8: {  	s5 =	sshll.u32 s28, $0x1;
	[dreg:$0x2] =	wrdreg s3  }
0xa9: {  	[dreg:$0x3] =	wrdreg s5  }
0xaa: {  	[dreg:$0x4] =	wrdreg $0xC0  }
0xab: {  	_ =	task [dreg:s7], $0x5FFFF  }
0xac: {  	[dreg:$0x1] =	wrdreg $0xFFFFFFFF  }
0xad: {  	[dreg:$0x0] =	wrdreg $0x60  }
0xae: {  	[dreg:$0x2] =	wrdreg s2  }
0xaf: {  	[dreg:$0x3] =	wrdreg s24  }
0xb0: {  	[dreg:$0x4] =	wrdreg $0xC0000  }
0xb1: {  	[dreg:$0x5] =	wrdreg $0x9  }
0xb2: {  	_ =	task.clear_ibuf [dreg:s7], $0x6FFFF;
	_ =	strace $0x90000046  }
0xb3: {  	s29 =	simm.s32 $0x9;
	_ =	strace $0x80000048  }
0xb4: {  	_ =	swait.ge [sflag:s29], $0x1  }
0xb5: {  	[sflag:s29] =	ssyncadd.s32 $0xFFFFFFFF  }
0xb6: {  	_ =	strace $0x90000048  }
0xb7: {  	_ =	sfence  }
0xb8: {  	s30 =	sld [smem:$0x0];
	_ =	sdelay $0x2  }
0xb9: {  	s31 =	sshll.u32 s1, $0xD;
	s1 =	sshrl.u32 s1, $0x2  }
0xba: {  	s3 =	sand.u32 $0x4000, s31;
	s1 =	sadd.s32 s1, s30  }
0xbb: {  	s0 =	sor.u32 s3, s0;
	s1 =	sshll.u32 s1, $0x11  }
0xbc: {  	s0 =	sor.u32 s1, s0  }
0xbd: {  	s0 =	sadd.s32 $0x8F2B, s0  }
0xbe: {  	[sflag:s0] =	ssyncadd.remote.s32 $0x1  }
0xbf: {  	_ =	sfence.sel $0xFFFF  }
0xc0: {  	[dreg:$0x0] =	wrdreg $0xFFFFFFFF;
	(pc) =	sbr.abs _section_cstart, $3  }
0xc1: {  	[dreg:$0x1] =	wrdreg $0xFFFFFFFF  }
0xc2: {  	_ =	task.clear_ibuf [dreg:s7], $0x2FFFF;
	_ =	strace $0x9FFFFFFF  }
0xc3: {  	(tm) =	ssettm $0x7FFFFFFF  }
tec
execute0_lowered:
.L_overlay_start_1:
0x0: {  	(tag) =	ssettag $0x1  }
0x1: {  	s0 =	rddreg [dreg:$0x0]  }
0x2: {  	s1 =	rddreg [dreg:$0x1];
	s2 =	srdreg.scid  }
0x3: {  	s3 =	rddreg [dreg:$0x2];
	s11 =	stileid.u32;
	s4 =	simm.s32 $0x0  }
0x4: {  	s2 =	sand.u32 $0x1, s2;
	s6 =	smul.u32 $0x14000, s11;
	s8 =	sshrl.u32 s11, $0x3  }
0x5: {  	s15 =	sshll.u32 s11, $0x7;
	s10 =	sshll.u32 s11, $0x1;
	s11 =	smul.u32 $0x50000, s11  }
0x6: {  	s28 =	simm.s32 $0x3;
	s29 =	simm.s32 $0x6F00;
	s5 =	smul.u32 $0x140000, s2  }
0x7: {  	s30 =	simm.s32 $0x1;
	s31 =	simm.s32 $0x9780;
	s7 =	smul.u32 $0x27800, s2  }
0x8: {  	[smem:$0x7FF] =	sst s4;
	s9 =	sadd.s32 $0x28A00, s1;
	s8 =	smul.u32 $0x13C00, s8  }
0x9: {  	_ =	strace $0x80000047;
	[dreg:$0x4] =	wrdreg s9;
	s17 =	ssub.s32 $0x2, s2  }
0xa: {  	s16 =	sand.u32 $0x380, s15;
	s2 =	sor.u32 s2, s10;
	s18 =	sshrl.u32 s17, $0x1  }
0xb: {  	s19 =	sshrl.u32 s11, $0x2;
	s5 =	sadd.s32 s6, s5;
	s9 =	ssub.s32 s17, s18  }
0xc: {  	s7 =	sadd.s32 s7, s8;
	s10 =	sadd.s32 s19, s3;
	s20 =	smax.u32 s9, $0x1  }
0xd: {  	s6 =	sadd.s32 $0x14A00, s1;
	s21 =	sadd.s32 $0x2800, s10;
	[dreg:$0x7] =	wrdreg s20  }
0xe: {  	s5 =	sshrl.u32 s5, $0x3;
	s22 =	sadd.s32 $0x5000, s10;
	[dreg:$0x8] =	wrdreg s21  }
0xf: {  	s8 =	sor.u32 s16, s7;
	s23 =	sadd.s32 $0x7800, s10;
	[dreg:$0x9] =	wrdreg s22  }
0x10: {  	s7 =	sadd.s32 $0xA00, s1;
	s24 =	sadd.s32 $0xA000, s10;
	[dreg:$0xa] =	wrdreg s23  }
0x11: {  	s25 =	sadd.s32 $0xC800, s10;
	s26 =	sadd.s32 $0xF000, s10;
	[dreg:$0xb] =	wrdreg s24  }
0x12: {  	s19 =	sadd.s32 $0x11800, s10;
	s5 =	sadd.s32 s5, s1;
	[dreg:$0xc] =	wrdreg s25  }
0x13: {  	s8 =	sshrl.u32 s8, $0x3;
	[dreg:$0xd] =	wrdreg s26;
	s20 =	simm.s32 $0x4  }
0x14: {  	s21 =	simm.s32 $0x6F80;
	s22 =	simm.s32 $0x4F00;
	s23 =	simm.s32 $0x5F00  }
0x15: {  	s24 =	simm.s32 $0x50;
	s25 =	simm.s32 $0x2780;
	s26 =	simm.s32 $0x9800  }
0x16: {  	s1 =	sadd.s32 s8, s1;
	s8 =	smul.u32 $0x5000, s2;
	s5 =	sadd.s32 $0x32E00, s5  }
0x17: {  	s2 =	simm.s32 $0x5B00;
	[dreg:$0x5] =	wrdreg s5;
	s1 =	sadd.s32 $0x29000, s1  }
0x18: {  	v0 =	vimm.f32 $0.0e+00;
	s5 =	simm.s32 $0x6B00;
	[dreg:$0x6] =	wrdreg s1;
	s1 =	simm.s32 $0x2  }
.LBB2_1:
0x19: {  	s9 =	simm.s32 $0x40;
	s11 =	simm.s32 $0x0  }
.LBB2_2:
0x1a: {  	p0 =	sne.s32 s9, $0x9C00;
	[tilespmem:s11+$0x2780] =	vst v0;
	s11 =	smov.u32 s9;
	s9 =	sadd.s32 $0x40, s9  }
.Ltmp0:
0x1b: {  	(pc) =	sbr.rel @p0 .LBB2_2-.Ltmp0, $2  }
0x1c: {  	_ =	sdelay $0x2  }
0x1d: {  	s11 =	sshra.s32 s11, $0x2  }
0x1e: {  	[tilespmem:s11+$0x2780] =	vst v0;
	s9 =	simm.s32 $0x0;
	s18 =	rddreg [dreg:$0x4]  }
0x1f: {  	[tilespmem:s9], [sflag:$0x4] =	stream.linear.gather [hbm4b:s18+s9], $0x2780, $0x38;
	v63 =	vld [tilespmem:$0x0]  }
0x20: {  	_ =	swait.ge [sflag:s20], $0x2780  }
0x21: {  	[sflag:s20] =	ssyncset.done $0x0  }
0x22: {  	s11 =	simm.s32 $0x200;
	s9 =	simm.s32 $0x0;
	[sflag:s20] =	ssyncadd.s32 $0xFFFFD880  }
.LBB2_4:
0x23: {  	p0 =	sne.s32 s11, $0x9E00;
	[tilespmem:s9+$0x6FF0] =	vst v0  }
0x24: {  	[tilespmem:s9+$0x6F80] =	vst v0  }
0x25: {  	[tilespmem:s9+$0x6F90] =	vst v0  }
.Ltmp1:
0x26: {  	[tilespmem:s9+$0x6FA0] =	vst v0;
	(pc) =	sbr.rel @p0 .LBB2_4-.Ltmp1, $4  }
0x27: {  	[tilespmem:s9+$0x6FB0] =	vst v0  }
0x28: {  	[tilespmem:s9+$0x6FC0] =	vst v0  }
0x29: {  	[tilespmem:s9+$0x6FD0] =	vst v0  }
0x2a: {  	[tilespmem:s9+$0x6FE0] =	vst v0;
	s9 =	sshra.s32 s11, $0x2;
	s11 =	sadd.s32 $0x200, s11  }
0x2b: {  	[tilespmem:s9+$0x6FF0] =	vst v0  }
0x2c: {  	[tilespmem:s9+$0x6F80] =	vst v0  }
0x2d: {  	[tilespmem:s9+$0x6F90] =	vst v0  }
0x2e: {  	[tilespmem:s9+$0x6FA0] =	vst v0  }
0x2f: {  	[tilespmem:s9+$0x6FB0] =	vst v0  }
0x30: {  	[tilespmem:s9+$0x6FC0] =	vst v0  }
0x31: {  	[tilespmem:s9+$0x6FD0] =	vst v0  }
0x32: {  	[tilespmem:s9+$0x6FE0] =	vst v0  }
0x33: {  	[spmem:s10] =	stream.linear.scatter [tilespmem:s21], [sflag:$0x4], $0x2800, $0x38;
	v63 =	vld [tilespmem:$0x0]  }
0x34: {  	_ =	swait.ge [sflag:s20], $0x2800  }
0x35: {  	[sflag:s20] =	ssyncset.done $0x0  }
0x36: {  	s13 =	rddreg [dreg:$0x8];
	[sflag:s20] =	ssyncadd.s32 $0xFFFFD800  }
0x37: {  	[spmem:s13] =	stream.linear.scatter [tilespmem:s21], [sflag:$0x4], $0x2800, $0x38;
	v63 =	vld [tilespmem:$0x0]  }
0x38: {  	_ =	swait.ge [sflag:s20], $0x2800  }
0x39: {  	[sflag:s20] =	ssyncset.done $0x0  }
0x3a: {  	s14 =	rddreg [dreg:$0x9];
	[sflag:s20] =	ssyncadd.s32 $0xFFFFD800  }
0x3b: {  	[spmem:s14] =	stream.linear.scatter [tilespmem:s21], [sflag:$0x4], $0x2800, $0x38;
	v63 =	vld [tilespmem:$0x0]  }
0x3c: {  	_ =	swait.ge [sflag:s20], $0x2800  }
0x3d: {  	[sflag:s20] =	ssyncset.done $0x0  }
0x3e: {  	s15 =	rddreg [dreg:$0xa];
	[sflag:s20] =	ssyncadd.s32 $0xFFFFD800  }
0x3f: {  	[spmem:s15] =	stream.linear.scatter [tilespmem:s21], [sflag:$0x4], $0x2800, $0x38;
	v63 =	vld [tilespmem:$0x0]  }
0x40: {  	_ =	swait.ge [sflag:s20], $0x2800  }
0x41: {  	[sflag:s20] =	ssyncset.done $0x0  }
0x42: {  	s16 =	rddreg [dreg:$0xb];
	[sflag:s20] =	ssyncadd.s32 $0xFFFFD800  }
0x43: {  	[spmem:s16] =	stream.linear.scatter [tilespmem:s21], [sflag:$0x4], $0x2800, $0x38;
	v63 =	vld [tilespmem:$0x0]  }
0x44: {  	_ =	swait.ge [sflag:s20], $0x2800  }
0x45: {  	[sflag:s20] =	ssyncset.done $0x0  }
0x46: {  	s17 =	rddreg [dreg:$0xc];
	[sflag:s20] =	ssyncadd.s32 $0xFFFFD800  }
0x47: {  	[spmem:s17] =	stream.linear.scatter [tilespmem:s21], [sflag:$0x4], $0x2800, $0x38;
	v63 =	vld [tilespmem:$0x0]  }
0x48: {  	_ =	swait.ge [sflag:s20], $0x2800  }
0x49: {  	[sflag:s20] =	ssyncset.done $0x0  }
0x4a: {  	s18 =	rddreg [dreg:$0xd];
	[sflag:s20] =	ssyncadd.s32 $0xFFFFD800  }
0x4b: {  	[spmem:s18] =	stream.linear.scatter [tilespmem:s21], [sflag:$0x4], $0x2800, $0x38;
	v63 =	vld [tilespmem:$0x0]  }
0x4c: {  	_ =	swait.ge [sflag:s20], $0x2800  }
0x4d: {  	[sflag:s20] =	ssyncset.done $0x0  }
0x4e: {  	[sflag:s20] =	ssyncadd.s32 $0xFFFFD800  }
0x4f: {  	[spmem:s19] =	stream.linear.scatter [tilespmem:s21], [sflag:$0x4], $0x2800, $0x38;
	v63 =	vld [tilespmem:$0x0]  }
0x50: {  	_ =	swait.ge [sflag:s20], $0x2800  }
0x51: {  	[sflag:s20] =	ssyncset.done $0x0  }
0x52: {  	[sflag:s20] =	ssyncadd.s32 $0xFFFFD800  }
0x53: {  	s9 =	simm.s32 $0x0;
	s11 =	simm.s32 $0x0;
	[bflag:$0x0] =	sbarrier.arrive $0xFFFF  }
.LBB2_6:
0x54: {  	s12 =	sshll.u32 s11, $0xC  }
0x55: {  	s12 =	sadd.s32 s8, s12  }
0x56: {  	s12 =	sshrl.u32 s12, $0x3  }
0x57: {  	s13 =	sadd.s32 s6, s12  }
0x58: {  	[tilespmem:s22], [sflag:$0x4] =	stream.linear.gather [hbm4b:s13+s9], $0xC80, $0x38;
	v63 =	vld [tilespmem:$0x0]  }
0x59: {  	_ =	swait.ge [sflag:s20], $0xC80  }
0x5a: {  	[sflag:s20] =	ssyncset.done $0x0  }
0x5b: {  	s12 =	sadd.s32 s7, s12;
	[sflag:s20] =	ssyncadd.s32 $0xFFFFF380  }
0x5c: {  	[tilespmem:s23], [sflag:$0x4] =	stream.linear.gather [hbm4b:s12+s9], $0xC80, $0x38;
	v63 =	vld [tilespmem:$0x0]  }
0x5d: {  	_ =	swait.ge [sflag:s20], $0xC80  }
0x5e: {  	[sflag:s20] =	ssyncset.done $0x0  }
0x5f: {  	s12 =	simm.s32 $0x0;
	[sflag:s20] =	ssyncadd.s32 $0xFFFFF380  }
.LBB2_7:
0x60: {  	s13 =	sshll.u32 s12, $0x8  }
0x61: {  	s14 =	sadd.s32 $0x4F00, s13  }
0x62: {  	[tilespmem:s21], [sflag:$0x3] =	stream.indirect.gather [hbm4b:s0+s24], $0x80, s14, s24, $0xb8;
	v63 =	vld [tilespmem:$0x0]  }
0x63: {  	v1 =	vld [tilespmem:s13+$0x4F00]  }
0x64: {  	v2 =	vld [tilespmem:s13+$0x5F00];
	_ =	sdelay $0x5  }
0x65: {  	s18 =	simm.s32 $0x0  }
0x66: {  	v1 =	vld.idx.msk [tilespmem:v1+s18+$0x0], $0xffff  }
0x67: {  	v3 =	vld.idx.msk [tilespmem:v2+s18+$0x0], $0xffff;
	_ =	sdelay $0x4  }
0x68: {  	v1 =	vadd.f32 v3, v1;
	_ =	sdelay $0x1  }
0x69: {  	v1 =	vmul.f32 $1.442695020e+00, v1;
	_ =	sdelay $0x1  }
0x6a: {  	(erf) = vpow2.f32 v1;
	_ =	sdelay $0x8  }
0x6b: {  	v1 =	vpop (erf)  }
0x6c: {  	[tilespmem:$0x6F00] =	vst v1  }
0x6d: {  	[tilespmem:v2+s25+$0x0] =	vst.idx.add.f32.msk $0xffff, v1  }
0x6e: {  	v1 =	vld [tilespmem:s13+$0x4F10]  }
0x6f: {  	v2 =	vld [tilespmem:s13+$0x5F10];
	_ =	sdelay $0x6  }
0x70: {  	v1 =	vld.idx.msk [tilespmem:v1+s18+$0x0], $0xffff  }
0x71: {  	v3 =	vld.idx.msk [tilespmem:v2+s18+$0x0], $0xffff;
	_ =	sdelay $0x4  }
0x72: {  	v1 =	vadd.f32 v3, v1;
	_ =	sdelay $0x1  }
0x73: {  	v1 =	vmul.f32 $1.442695020e+00, v1;
	_ =	sdelay $0x1  }
0x74: {  	(erf) = vpow2.f32 v1;
	_ =	sdelay $0x8  }
0x75: {  	v1 =	vpop (erf)  }
0x76: {  	[tilespmem:$0x6F10] =	vst v1  }
0x77: {  	[tilespmem:v2+s25+$0x0] =	vst.idx.add.f32.msk $0xffff, v1  }
0x78: {  	v1 =	vld [tilespmem:s13+$0x4F20]  }
0x79: {  	v2 =	vld [tilespmem:s13+$0x5F20];
	_ =	sdelay $0x6  }
0x7a: {  	v1 =	vld.idx.msk [tilespmem:v1+s18+$0x0], $0xffff  }
0x7b: {  	v3 =	vld.idx.msk [tilespmem:v2+s18+$0x0], $0xffff;
	_ =	sdelay $0x4  }
0x7c: {  	v1 =	vadd.f32 v3, v1;
	_ =	sdelay $0x1  }
0x7d: {  	v1 =	vmul.f32 $1.442695020e+00, v1;
	_ =	sdelay $0x1  }
0x7e: {  	(erf) = vpow2.f32 v1;
	_ =	sdelay $0x8  }
0x7f: {  	v1 =	vpop (erf)  }
0x80: {  	[tilespmem:$0x6F20] =	vst v1  }
0x81: {  	[tilespmem:v2+s25+$0x0] =	vst.idx.add.f32.msk $0xffff, v1  }
0x82: {  	v1 =	vld [tilespmem:s13+$0x4F30]  }
0x83: {  	v2 =	vld [tilespmem:s13+$0x5F30];
	_ =	sdelay $0x6  }
0x84: {  	v1 =	vld.idx.msk [tilespmem:v1+s18+$0x0], $0xffff  }
0x85: {  	v3 =	vld.idx.msk [tilespmem:v2+s18+$0x0], $0xffff;
	_ =	sdelay $0x4  }
0x86: {  	v1 =	vadd.f32 v3, v1;
	_ =	sdelay $0x1  }
0x87: {  	v1 =	vmul.f32 $1.442695020e+00, v1;
	_ =	sdelay $0x1  }
0x88: {  	(erf) = vpow2.f32 v1;
	_ =	sdelay $0x8  }
0x89: {  	v1 =	vpop (erf)  }
0x8a: {  	[tilespmem:$0x6F30] =	vst v1  }
0x8b: {  	[tilespmem:v2+s25+$0x0] =	vst.idx.add.f32.msk $0xffff, v1  }
0x8c: {  	v1 =	vld [tilespmem:s13+$0x4F40]  }
0x8d: {  	v2 =	vld [tilespmem:s13+$0x5F40];
	_ =	sdelay $0x6  }
0x8e: {  	v1 =	vld.idx.msk [tilespmem:v1+s18+$0x0], $0xffff  }
0x8f: {  	v3 =	vld.idx.msk [tilespmem:v2+s18+$0x0], $0xffff;
	_ =	sdelay $0x4  }
0x90: {  	v1 =	vadd.f32 v3, v1;
	_ =	sdelay $0x1  }
0x91: {  	v1 =	vmul.f32 $1.442695020e+00, v1;
	_ =	sdelay $0x1  }
0x92: {  	(erf) = vpow2.f32 v1;
	_ =	sdelay $0x8  }
0x93: {  	v1 =	vpop (erf)  }
0x94: {  	[tilespmem:$0x6F40] =	vst v1  }
0x95: {  	s15 =	sadd.s32 $0x4F80, s13;
	[tilespmem:v2+s25+$0x0] =	vst.idx.add.f32.msk $0xffff, v1  }
0x96: {  	[tilespmem:s26], [sflag:$0x1] =	stream.indirect.gather [hbm4b:s0+s24], $0x80, s15, s24, $0xb8;
	v63 =	vld [tilespmem:$0x0]  }
0x97: {  	v1 =	vld [tilespmem:s13+$0x4F80]  }
0x98: {  	v2 =	vld [tilespmem:s13+$0x5F80];
	_ =	sdelay $0x6  }
0x99: {  	v1 =	vld.idx.msk [tilespmem:v1+s18+$0x0], $0xffff  }
0x9a: {  	v3 =	vld.idx.msk [tilespmem:v2+s18+$0x0], $0xffff;
	_ =	sdelay $0x4  }
0x9b: {  	v1 =	vadd.f32 v3, v1;
	_ =	sdelay $0x1  }
0x9c: {  	v1 =	vmul.f32 $1.442695020e+00, v1;
	_ =	sdelay $0x1  }
0x9d: {  	(erf) = vpow2.f32 v1;
	_ =	sdelay $0x8  }
0x9e: {  	v1 =	vpop (erf)  }
0x9f: {  	[tilespmem:$0x9780] =	vst v1  }
0xa0: {  	[tilespmem:v2+s25+$0x0] =	vst.idx.add.f32.msk $0xffff, v1  }
0xa1: {  	v1 =	vld [tilespmem:s13+$0x4F90]  }
0xa2: {  	v2 =	vld [tilespmem:s13+$0x5F90];
	_ =	sdelay $0x6  }
0xa3: {  	v1 =	vld.idx.msk [tilespmem:v1+s18+$0x0], $0xffff  }
0xa4: {  	v3 =	vld.idx.msk [tilespmem:v2+s18+$0x0], $0xffff;
	_ =	sdelay $0x4  }
0xa5: {  	v1 =	vadd.f32 v3, v1;
	_ =	sdelay $0x1  }
0xa6: {  	v1 =	vmul.f32 $1.442695020e+00, v1;
	_ =	sdelay $0x1  }
0xa7: {  	(erf) = vpow2.f32 v1;
	_ =	sdelay $0x8  }
0xa8: {  	v1 =	vpop (erf)  }
0xa9: {  	[tilespmem:$0x9790] =	vst v1  }
0xaa: {  	[tilespmem:v2+s25+$0x0] =	vst.idx.add.f32.msk $0xffff, v1  }
0xab: {  	v1 =	vld [tilespmem:s13+$0x4FA0]  }
0xac: {  	v2 =	vld [tilespmem:s13+$0x5FA0];
	_ =	sdelay $0x6  }
0xad: {  	v1 =	vld.idx.msk [tilespmem:v1+s18+$0x0], $0xffff  }
0xae: {  	v3 =	vld.idx.msk [tilespmem:v2+s18+$0x0], $0xffff;
	_ =	sdelay $0x4  }
0xaf: {  	v1 =	vadd.f32 v3, v1;
	_ =	sdelay $0x1  }
0xb0: {  	v1 =	vmul.f32 $1.442695020e+00, v1;
	_ =	sdelay $0x1  }
0xb1: {  	(erf) = vpow2.f32 v1;
	_ =	sdelay $0x8  }
0xb2: {  	v1 =	vpop (erf)  }
0xb3: {  	[tilespmem:$0x97A0] =	vst v1  }
0xb4: {  	[tilespmem:v2+s25+$0x0] =	vst.idx.add.f32.msk $0xffff, v1  }
0xb5: {  	v1 =	vld [tilespmem:s13+$0x4FB0]  }
0xb6: {  	v2 =	vld [tilespmem:s13+$0x5FB0];
	_ =	sdelay $0x6  }
0xb7: {  	v1 =	vld.idx.msk [tilespmem:v1+s18+$0x0], $0xffff  }
0xb8: {  	v3 =	vld.idx.msk [tilespmem:v2+s18+$0x0], $0xffff;
	_ =	sdelay $0x4  }
0xb9: {  	v1 =	vadd.f32 v3, v1;
	_ =	sdelay $0x1  }
0xba: {  	v1 =	vmul.f32 $1.442695020e+00, v1;
	_ =	sdelay $0x1  }
0xbb: {  	(erf) = vpow2.f32 v1;
	_ =	sdelay $0x8  }
0xbc: {  	v1 =	vpop (erf)  }
0xbd: {  	[tilespmem:$0x97B0] =	vst v1  }
0xbe: {  	[tilespmem:v2+s25+$0x0] =	vst.idx.add.f32.msk $0xffff, v1  }
0xbf: {  	v1 =	vld [tilespmem:s13+$0x4FC0]  }
0xc0: {  	v2 =	vld [tilespmem:s13+$0x5FC0];
	_ =	sdelay $0x6  }
0xc1: {  	v1 =	vld.idx.msk [tilespmem:v1+s18+$0x0], $0xffff  }
0xc2: {  	v3 =	vld.idx.msk [tilespmem:v2+s18+$0x0], $0xffff;
	_ =	sdelay $0x4  }
0xc3: {  	v1 =	vadd.f32 v3, v1;
	_ =	sdelay $0x1  }
0xc4: {  	v1 =	vmul.f32 $1.442695020e+00, v1;
	_ =	sdelay $0x1  }
0xc5: {  	(erf) = vpow2.f32 v1;
	_ =	sdelay $0x8  }
0xc6: {  	v1 =	vpop (erf)  }
0xc7: {  	[tilespmem:$0x97C0] =	vst v1  }
0xc8: {  	[tilespmem:v2+s25+$0x0] =	vst.idx.add.f32.msk $0xffff, v1  }
0xc9: {  	_ =	swait.ge [sflag:s28], $0x2800  }
0xca: {  	v1 =	vmov s18;
	[sflag:s28] =	ssyncset.done $0x0  }
0xcb: {  	s14 =	simm.s32 $0x6FC0;
	[sflag:s28] =	ssyncadd.s32 $0xFFFFD800  }
0xcc: {  	v5 =	vld [tilespmem:s14+$0x30]  }
0xcd: {  	v8 =	vld [tilespmem:s14+$0x10]  }
0xce: {  	v6 =	vld [tilespmem:s14+$0xFFFFFFC0]  }
0xcf: {  	v2 =	vld.idx.msk [tilespmem:v1+s29+$0x0], $0xffff  }
0xd0: {  	v10 =	vld [tilespmem:s14+$0xFFFFFFE0]  }
0xd1: {  	v3 =	vld [tilespmem:s14+$0x20]  }
0xd2: {  	v4 =	vld [tilespmem:s14+$0xFFFFFFD0]  }
0xd3: {  	v1 =	vld [tilespmem:s14+$0xFFFFFFF0]  }
0xd4: {  	v9 =	vmul.f32 v5, v2;
	v5 =	vld [tilespmem:s14+$0x0]  }
0xd5: {  	s16 =	simm.s32 $0x1;
	v7 =	vmul.f32 v6, v2  }
0xd6: {  	s17 =	simm.s32 $0x6FC0;
	s15 =	sadd.s32 $0x5F00, s13;
	s13 =	sadd.s32 $0x5F80, s13;
	v6 =	vmul.f32 v10, v2;
	v8 =	vmul.f32 v8, v2  }
.LBB2_8:
0xd7: {  	p0 =	sne.s32 s16, $0x4F  }
0xd8: {  	v4 =	vmul.f32 v4, v2;
	v3 =	vmul.f32 v3, v2;
	[tilespmem:s14+$0x30] =	vst v9;
	s17 =	sadd.s32 $0x80, s17;
	s18 =	smov.u32 s16;
	s16 =	sadd.s32 $0x1, s16  }
0xd9: {  	[tilespmem:s14+$0xFFFFFFC0] =	vst v7;
	v7 =	vmul.f32 v1, v2;
	v2 =	vmul.f32 v5, v2  }
0xda: {  	[tilespmem:s14+$0x10] =	vst v8  }
0xdb: {  	v5 =	vmov s18;
	[tilespmem:s14+$0xFFFFFFE0] =	vst v6  }
0xdc: {  	v1 =	vld [tilespmem:s17+$0xFFFFFFF0];
	[tilespmem:s14+$0xFFFFFFF0] =	vst v7  }
0xdd: {  	v6 =	vld [tilespmem:s17+$0x30];
	[tilespmem:s14+$0x0] =	vst v2  }
0xde: {  	v8 =	vld [tilespmem:s17+$0x10];
	[tilespmem:s14+$0x20] =	vst v3  }
0xdf: {  	v7 =	vld [tilespmem:s17+$0xFFFFFFC0];
	[tilespmem:s14+$0xFFFFFFD0] =	vst v4;
	s14 =	smov.u32 s17  }
0xe0: {  	v2 =	vld.idx.msk [tilespmem:v5+s29+$0x0], $0xffff  }
0xe1: {  	v10 =	vld [tilespmem:s17+$0xFFFFFFE0]  }
0xe2: {  	v3 =	vld [tilespmem:s17+$0x20]  }
.Ltmp2:
0xe3: {  	v4 =	vld [tilespmem:s17+$0xFFFFFFD0];
	(pc) =	sbr.rel @p0 .LBB2_8-.Ltmp2, $3  }
0xe4: {  	v5 =	vld [tilespmem:s17+$0x0];
	_ =	sdelay $0x1  }
0xe5: {  	v7 =	vmul.f32 v7, v2;
	v9 =	vmul.f32 v6, v2  }
0xe6: {  	v8 =	vmul.f32 v8, v2;
	v6 =	vmul.f32 v10, v2  }
0xe7: {  	[tilespmem:s14+$0x30] =	vst v9  }
0xe8: {  	[tilespmem:s14+$0xFFFFFFC0] =	vst v7  }
0xe9: {  	v1 =	vmul.f32 v1, v2;
	[tilespmem:s14+$0x10] =	vst v8  }
0xea: {  	v3 =	vmul.f32 v3, v2;
	[tilespmem:s14+$0xFFFFFFE0] =	vst v6  }
0xeb: {  	v5 =	vmul.f32 v5, v2;
	[tilespmem:s14+$0xFFFFFFF0] =	vst v1  }
0xec: {  	v1 =	vmul.f32 v4, v2;
	[tilespmem:s14+$0x20] =	vst v3  }
0xed: {  	[tilespmem:s14+$0x0] =	vst v5  }
0xee: {  	[tilespmem:s14+$0xFFFFFFD0] =	vst v1  }
0xef: {  	[spmem:s3] =	stream.indirect.scatter.add.f32 [tilespmem:s21], [sflag:$0x2], $0x80, s15, s24, $0xb8;
	v63 =	vld [tilespmem:$0x0]  }
0xf0: {  	s18 =	simm.s32 $0x0;
	_ =	swait.ge [sflag:s30], $0x2800  }
0xf1: {  	v1 =	vmov s18;
	[sflag:s30] =	ssyncset.done $0x0  }
0xf2: {  	s14 =	simm.s32 $0x9840;
	[sflag:s30] =	ssyncadd.s32 $0xFFFFD800  }
0xf3: {  	v5 =	vld [tilespmem:s14+$0x30]  }
0xf4: {  	v8 =	vld [tilespmem:s14+$0x10]  }
0xf5: {  	v6 =	vld [tilespmem:s14+$0xFFFFFFC0]  }
0xf6: {  	v2 =	vld.idx.msk [tilespmem:v1+s31+$0x0], $0xffff  }
0xf7: {  	v10 =	vld [tilespmem:s14+$0xFFFFFFE0]  }
0xf8: {  	v1 =	vld [tilespmem:s14+$0xFFFFFFF0]  }
0xf9: {  	v3 =	vld [tilespmem:s14+$0x20]  }
0xfa: {  	v4 =	vld [tilespmem:s14+$0xFFFFFFD0]  }
0xfb: {  	v9 =	vmul.f32 v5, v2;
	v5 =	vld [tilespmem:s14+$0x0]  }
0xfc: {  	v7 =	vmul.f32 v6, v2  }
0xfd: {  	s16 =	simm.s32 $0x9840;
	s15 =	simm.s32 $0x1;
	v6 =	vmul.f32 v10, v2;
	v8 =	vmul.f32 v8, v2  }
.LBB2_10:
0xfe: {  	p0 =	sne.s32 s15, $0x4F  }
0xff: {  	v4 =	vmul.f32 v4, v2;
	v3 =	vmul.f32 v3, v2;
	[tilespmem:s14+$0x30] =	vst v9;
	s16 =	sadd.s32 $0x80, s16;
	s17 =	smov.u32 s15;
	s15 =	sadd.s32 $0x1, s15  }
0x100: {  	[tilespmem:s14+$0xFFFFFFC0] =	vst v7;
	v7 =	vmul.f32 v1, v2;
	v2 =	vmul.f32 v5, v2  }
0x101: {  	[tilespmem:s14+$0x10] =	vst v8  }
0x102: {  	v5 =	vmov s17;
	[tilespmem:s14+$0xFFFFFFE0] =	vst v6  }
0x103: {  	v1 =	vld [tilespmem:s16+$0xFFFFFFF0];
	[tilespmem:s14+$0xFFFFFFF0] =	vst v7  }
0x104: {  	v6 =	vld [tilespmem:s16+$0x30];
	[tilespmem:s14+$0x0] =	vst v2  }
0x105: {  	v8 =	vld [tilespmem:s16+$0x10];
	[tilespmem:s14+$0x20] =	vst v3  }
0x106: {  	v7 =	vld [tilespmem:s16+$0xFFFFFFC0];
	[tilespmem:s14+$0xFFFFFFD0] =	vst v4;
	s14 =	smov.u32 s16  }
0x107: {  	v2 =	vld.idx.msk [tilespmem:v5+s31+$0x0], $0xffff  }
0x108: {  	v10 =	vld [tilespmem:s16+$0xFFFFFFE0]  }
0x109: {  	v3 =	vld [tilespmem:s16+$0x20]  }
.Ltmp3:
0x10a: {  	v4 =	vld [tilespmem:s16+$0xFFFFFFD0];
	(pc) =	sbr.rel @p0 .LBB2_10-.Ltmp3, $3  }
0x10b: {  	v5 =	vld [tilespmem:s16+$0x0];
	_ =	sdelay $0x1  }
0x10c: {  	v7 =	vmul.f32 v7, v2;
	v9 =	vmul.f32 v6, v2  }
0x10d: {  	v8 =	vmul.f32 v8, v2;
	v6 =	vmul.f32 v10, v2  }
0x10e: {  	[tilespmem:s14+$0x30] =	vst v9  }
0x10f: {  	[tilespmem:s14+$0xFFFFFFC0] =	vst v7  }
0x110: {  	v1 =	vmul.f32 v1, v2;
	[tilespmem:s14+$0x10] =	vst v8  }
0x111: {  	v3 =	vmul.f32 v3, v2;
	[tilespmem:s14+$0xFFFFFFE0] =	vst v6  }
0x112: {  	v5 =	vmul.f32 v5, v2;
	[tilespmem:s14+$0xFFFFFFF0] =	vst v1  }
0x113: {  	v1 =	vmul.f32 v4, v2;
	[tilespmem:s14+$0x20] =	vst v3  }
0x114: {  	[tilespmem:s14+$0x0] =	vst v5  }
0x115: {  	s12 =	sadd.s32 $0x1, s12;
	[tilespmem:s14+$0xFFFFFFD0] =	vst v1  }
0x116: {  	[spmem:s3] =	stream.indirect.scatter.add.f32 [tilespmem:s26], [sflag:$0x4], $0x80, s13, s24, $0xb8;
	v63 =	vld [tilespmem:$0x0]  }
0x117: {  	p0 =	sne.s32 s12, $0xC;
	_ =	swait.ge [sflag:s20], $0x2800  }
.Ltmp4:
0x118: {  	[sflag:s20] =	ssyncset.done $0x0;
	(pc) =	sbr.rel @p0 .LBB2_7-.Ltmp4, $4  }
0x119: {  	[sflag:s20] =	ssyncadd.s32 $0xFFFFD800  }
0x11a: {  	_ =	swait.ge [sflag:s1], $0x2800  }
0x11b: {  	[sflag:s1] =	ssyncset.done $0x0  }
0x11c: {  	[sflag:s1] =	ssyncadd.s32 $0xFFFFD800  }
0x11d: {  	[tilespmem:s21], [sflag:$0x3] =	stream.indirect.gather [hbm4b:s0+s24], $0x80, s2, s24, $0xb8;
	v63 =	vld [tilespmem:$0x0]  }
0x11e: {  	v1 =	vld [tilespmem:$0x5B00]  }
0x11f: {  	v2 =	vld [tilespmem:$0x6B00];
	_ =	sdelay $0x5  }
0x120: {  	s12 =	simm.s32 $0x0  }
0x121: {  	v1 =	vld.idx.msk [tilespmem:v1+s12+$0x0], $0xffff  }
0x122: {  	v3 =	vld.idx.msk [tilespmem:v2+s12+$0x0], $0xffff;
	_ =	sdelay $0x4  }
0x123: {  	v1 =	vadd.f32 v3, v1;
	_ =	sdelay $0x1  }
0x124: {  	v1 =	vmul.f32 $1.442695020e+00, v1;
	_ =	sdelay $0x1  }
0x125: {  	(erf) = vpow2.f32 v1;
	_ =	sdelay $0x8  }
0x126: {  	v1 =	vpop (erf)  }
0x127: {  	[tilespmem:$0x6F00] =	vst v1  }
0x128: {  	[tilespmem:v2+s25+$0x0] =	vst.idx.add.f32.msk $0xffff, v1  }
0x129: {  	v1 =	vld [tilespmem:$0x5B10]  }
0x12a: {  	v2 =	vld [tilespmem:$0x6B10];
	_ =	sdelay $0x6  }
0x12b: {  	v1 =	vld.idx.msk [tilespmem:v1+s12+$0x0], $0xffff  }
0x12c: {  	v3 =	vld.idx.msk [tilespmem:v2+s12+$0x0], $0xffff;
	_ =	sdelay $0x4  }
0x12d: {  	v1 =	vadd.f32 v3, v1;
	_ =	sdelay $0x1  }
0x12e: {  	v1 =	vmul.f32 $1.442695020e+00, v1;
	_ =	sdelay $0x1  }
0x12f: {  	(erf) = vpow2.f32 v1;
	_ =	sdelay $0x8  }
0x130: {  	v1 =	vpop (erf)  }
0x131: {  	[tilespmem:$0x6F10] =	vst v1  }
0x132: {  	[tilespmem:v2+s25+$0x0] =	vst.idx.add.f32.msk $0xffff, v1  }
0x133: {  	v1 =	vld [tilespmem:$0x5B20]  }
0x134: {  	v2 =	vld [tilespmem:$0x6B20];
	_ =	sdelay $0x6  }
0x135: {  	v1 =	vld.idx.msk [tilespmem:v1+s12+$0x0], $0xffff  }
0x136: {  	v3 =	vld.idx.msk [tilespmem:v2+s12+$0x0], $0xffff;
	_ =	sdelay $0x4  }
0x137: {  	v1 =	vadd.f32 v3, v1;
	_ =	sdelay $0x1  }
0x138: {  	v1 =	vmul.f32 $1.442695020e+00, v1;
	_ =	sdelay $0x1  }
0x139: {  	(erf) = vpow2.f32 v1;
	_ =	sdelay $0x8  }
0x13a: {  	v1 =	vpop (erf)  }
0x13b: {  	[tilespmem:$0x6F20] =	vst v1  }
0x13c: {  	[tilespmem:v2+s25+$0x0] =	vst.idx.add.f32.msk $0xffff, v1  }
0x13d: {  	v1 =	vld [tilespmem:$0x5B30]  }
0x13e: {  	v2 =	vld [tilespmem:$0x6B30];
	_ =	sdelay $0x6  }
0x13f: {  	v1 =	vld.idx.msk [tilespmem:v1+s12+$0x0], $0xffff  }
0x140: {  	v3 =	vld.idx.msk [tilespmem:v2+s12+$0x0], $0xffff;
	_ =	sdelay $0x4  }
0x141: {  	v1 =	vadd.f32 v3, v1;
	_ =	sdelay $0x1  }
0x142: {  	v1 =	vmul.f32 $1.442695020e+00, v1;
	_ =	sdelay $0x1  }
0x143: {  	(erf) = vpow2.f32 v1;
	_ =	sdelay $0x8  }
0x144: {  	v1 =	vpop (erf)  }
0x145: {  	[tilespmem:$0x6F30] =	vst v1  }
0x146: {  	[tilespmem:v2+s25+$0x0] =	vst.idx.add.f32.msk $0xffff, v1  }
0x147: {  	v1 =	vld [tilespmem:$0x5B40]  }
0x148: {  	v2 =	vld [tilespmem:$0x6B40];
	_ =	sdelay $0x6  }
0x149: {  	v1 =	vld.idx.msk [tilespmem:v1+s12+$0x0], $0xffff  }
0x14a: {  	v3 =	vld.idx.msk [tilespmem:v2+s12+$0x0], $0xffff;
	_ =	sdelay $0x4  }
0x14b: {  	v1 =	vadd.f32 v3, v1;
	_ =	sdelay $0x1  }
0x14c: {  	v1 =	vmul.f32 $1.442695020e+00, v1;
	_ =	sdelay $0x1  }
0x14d: {  	(erf) = vpow2.f32 v1;
	_ =	sdelay $0x8  }
0x14e: {  	v1 =	vpop (erf)  }
0x14f: {  	[tilespmem:$0x6F40] =	vst v1  }
0x150: {  	[tilespmem:v2+s25+$0x0] =	vst.idx.add.f32.msk $0xffff, v1  }
0x151: {  	_ =	swait.ge [sflag:s28], $0x2800  }
0x152: {  	v1 =	vmov s12;
	[sflag:s28] =	ssyncset.done $0x0  }
0x153: {  	s12 =	simm.s32 $0x6FC0;
	[sflag:s28] =	ssyncadd.s32 $0xFFFFD800  }
0x154: {  	v5 =	vld [tilespmem:s12+$0x30]  }
0x155: {  	v8 =	vld [tilespmem:s12+$0x10]  }
0x156: {  	v6 =	vld [tilespmem:s12+$0xFFFFFFC0]  }
0x157: {  	v2 =	vld.idx.msk [tilespmem:v1+s29+$0x0], $0xffff  }
0x158: {  	v10 =	vld [tilespmem:s12+$0xFFFFFFE0]  }
0x159: {  	v3 =	vld [tilespmem:s12+$0x20]  }
0x15a: {  	v4 =	vld [tilespmem:s12+$0xFFFFFFD0]  }
0x15b: {  	v1 =	vld [tilespmem:s12+$0xFFFFFFF0]  }
0x15c: {  	v9 =	vmul.f32 v5, v2;
	v5 =	vld [tilespmem:s12+$0x0]  }
0x15d: {  	v7 =	vmul.f32 v6, v2  }
0x15e: {  	s13 =	simm.s32 $0x1;
	s14 =	simm.s32 $0x6FC0;
	v6 =	vmul.f32 v10, v2;
	v8 =	vmul.f32 v8, v2  }
.LBB2_13:
0x15f: {  	p0 =	sne.s32 s13, $0x4F  }
0x160: {  	v4 =	vmul.f32 v4, v2;
	v3 =	vmul.f32 v3, v2;
	[tilespmem:s12+$0x30] =	vst v9;
	s14 =	sadd.s32 $0x80, s14;
	s15 =	smov.u32 s13;
	s13 =	sadd.s32 $0x1, s13  }
0x161: {  	[tilespmem:s12+$0xFFFFFFC0] =	vst v7;
	v7 =	vmul.f32 v1, v2;
	v2 =	vmul.f32 v5, v2  }
0x162: {  	[tilespmem:s12+$0x10] =	vst v8  }
0x163: {  	v5 =	vmov s15;
	[tilespmem:s12+$0xFFFFFFE0] =	vst v6  }
0x164: {  	v1 =	vld [tilespmem:s14+$0xFFFFFFF0];
	[tilespmem:s12+$0xFFFFFFF0] =	vst v7  }
0x165: {  	v6 =	vld [tilespmem:s14+$0x30];
	[tilespmem:s12+$0x0] =	vst v2  }
0x166: {  	v8 =	vld [tilespmem:s14+$0x10];
	[tilespmem:s12+$0x20] =	vst v3  }
0x167: {  	v7 =	vld [tilespmem:s14+$0xFFFFFFC0];
	[tilespmem:s12+$0xFFFFFFD0] =	vst v4;
	s12 =	smov.u32 s14  }
0x168: {  	v2 =	vld.idx.msk [tilespmem:v5+s29+$0x0], $0xffff  }
0x169: {  	v10 =	vld [tilespmem:s14+$0xFFFFFFE0]  }
0x16a: {  	v3 =	vld [tilespmem:s14+$0x20]  }
.Ltmp5:
0x16b: {  	v4 =	vld [tilespmem:s14+$0xFFFFFFD0];
	(pc) =	sbr.rel @p0 .LBB2_13-.Ltmp5, $3  }
0x16c: {  	v5 =	vld [tilespmem:s14+$0x0];
	_ =	sdelay $0x1  }
0x16d: {  	v7 =	vmul.f32 v7, v2;
	v9 =	vmul.f32 v6, v2  }
0x16e: {  	v8 =	vmul.f32 v8, v2;
	v6 =	vmul.f32 v10, v2  }
0x16f: {  	[tilespmem:s12+$0x30] =	vst v9  }
0x170: {  	[tilespmem:s12+$0xFFFFFFC0] =	vst v7  }
0x171: {  	v1 =	vmul.f32 v1, v2;
	[tilespmem:s12+$0x10] =	vst v8  }
0x172: {  	v3 =	vmul.f32 v3, v2;
	[tilespmem:s12+$0xFFFFFFE0] =	vst v6  }
0x173: {  	v5 =	vmul.f32 v5, v2;
	[tilespmem:s12+$0xFFFFFFF0] =	vst v1  }
0x174: {  	s11 =	sadd.s32 $0x1, s11;
	v1 =	vmul.f32 v4, v2;
	[tilespmem:s12+$0x20] =	vst v3  }
0x175: {  	p0 =	sne.s32 s11, $0x5;
	[tilespmem:s12+$0x0] =	vst v5  }
.Ltmp6:
0x176: {  	[tilespmem:s12+$0xFFFFFFD0] =	vst v1;
	(pc) =	sbr.rel @p0 .LBB2_6-.Ltmp6, $4  }
0x177: {  	[spmem:s3] =	stream.indirect.scatter.add.f32 [tilespmem:s21], [sflag:$0x4], $0x80, s5, s24, $0xb8;
	v63 =	vld [tilespmem:$0x0]  }
0x178: {  	_ =	swait.ge [sflag:s20], $0x2800  }
0x179: {  	[sflag:s20] =	ssyncset.done $0x0  }
0x17a: {  	[sflag:s20] =	ssyncadd.s32 $0xFFFFD800  }
0x17b: {  	s9 =	stileid.u32  }
0x17c: {  	[bflag:$0x0] =	sbarrier.arrive $0xFFFF;
	s9 =	sshll.u32 s9, $0x6  }
0x17d: {  	s11 =	sshrl.u32 s10, $0x3;
	s12 =	rddreg [dreg:$0x5];
	s9 =	sor.u32 $0x1C04, s9  }
0x17e: {  	[hbm:s12], [sflag:s9] =	dma.local [spmem:s11], $0x2800  }
0x17f: {  	_ =	swait.ge [sflag:s20], $0x2800  }
0x180: {  	s16 =	simm.s32 $0x80;
	[sflag:s20] =	ssyncset.done $0x0  }
0x181: {  	s17 =	simm.s32 $0x400;
	s15 =	rddreg [dreg:$0x6];
	[sflag:s20] =	ssyncadd.s32 $0xFFFFD800  }
0x182: {  	[hbm4b:s15+s16] =	stream.strided.scatter [tilespmem:s25], [sflag:$0x4], $0x2780, s17, s16, $0x38;
	v63 =	vld [tilespmem:$0x0]  }
0x183: {  	_ =	swait.ge [sflag:s20], $0x2780  }
0x184: {  	s4 =	sadd.s32 $0x1, s4;
	s18 =	rddreg [dreg:$0x7]  }
0x185: {  	p0 =	sne.s32 s4, s18  }
.Ltmp7:
0x186: {  	_ = 	snop;
	(pc) =	sbr.rel @p0 .LBB2_1-.Ltmp7, $3  }
0x187: {  	_ =	sdelay $0x1  }
0x188: {  	[sflag:s20] =	ssyncset.done $0x0  }
0x189: {  	[sflag:s20] =	ssyncadd.s32 $0xFFFFD880  }
0x18a: {  	_ =	sfence.sel $0x180000  }
0x18b: {  	[bflag:$0x0] =	sbarrier.arrive $0xFFFF  }
0x18c: {  	_ =	strace $0x90000047  }
0x18d: {  	s0 =	stileid.u32;
	[bflag:$0x2] =	sbarrier.arrive $0xFFFF  }
0x18e: {  	p0 =	sne.s32 s0, $0x0;
	s0 =	rddreg [dreg:$0x3]  }
0x18f: {  	s0 =	sadd.s32 @!p0 $0x100000, s0  }
0x190: {  	[sflag:s0] =	ssyncadd.tile.s32 @!p0 $0x1;
	_ =	shalt  }
.Lfunc_end2:
_tile_overlayer_lowered:
.L_overlay_start_2:
0x191: {  	(tag) =	ssettag $0x2  }
0x192: {  	s0 =	rddreg [dreg:$0x0];
	s2 =	stileid.u32  }
0x193: {  	s1 =	rddreg [dreg:$0x1];
	p0 =	sne.s32 s2, $0x0  }
0x194: {  	s3 =	rddreg [dreg:$0x2];
	[bflag:$0x3] =	sbarrier.arrive $0xFFFF;
	s2 =	simm.s32 @!p0 $0x1C04  }
0x195: {  	[timem:s3], [sflag:s2] =	dma.local @!p0 [hbm:s0], s1  }
0x196: {  	s0 =	simm.s32 @!p0 $0x4  }
0x197: {  	_ =	swait.ge @!p0 [sflag:s0], s1  }
0x198: {  	s1 =	ssub.s32 @!p0 $0x0, s1;
	[sflag:s0] =	ssyncset.done @!p0 $0x0  }
0x199: {  	[sflag:s0] =	ssyncadd.s32 @!p0 s1  }
0x19a: {  	[bflag:$0x3] =	sbarrier.arrive $0xFFFF  }
0x19b: {  	_ =	shalt  }

</sc_bundles>
